<compile_context>
chip_gen: v7x
topology: tpu7x:2x2x1
jax: 0.10.2.dev20260603
libtpu: 0.0.44.dev20260713+nightly
codegen_flags: <defaults>
</compile_context>

<pallas_src>
import functools

import jax
import jax.numpy as jnp
from jax import lax
from jax.experimental import pallas as pl
from jax.experimental.pallas import tpu as pltpu
from jax.experimental.pallas import tpu_sc as plsc

N = 10000
F = 128
G = 16
NUM_CORES = 2
NUM_SUBCORES = 16
NUM_TILES = NUM_CORES * NUM_SUBCORES
NPAD = 10240
RPT = NPAD // NUM_SUBCORES
CHUNK = 80
DEG_W = 16


def _sc_mesh():
    return plsc.VectorSubcoreMesh(core_axis_name="c", subcore_axis_name="s")


def _make_deg_kernel(E):
    ept = E // NUM_TILES
    assert ept % CHUNK == 0
    n_chunks = ept // CHUNK

    @functools.partial(
        pl.kernel,
        out_type=jax.ShapeDtypeStruct((NUM_CORES * NPAD, DEG_W), jnp.float32),
        mesh=_sc_mesh(),
        scratch_types=[
            pltpu.VMEM((CHUNK,), jnp.int32),
            pltpu.VMEM((CHUNK, DEG_W), jnp.float32),
            pltpu.VMEM_SHARED((NPAD, DEG_W), jnp.float32),
        ],
    )
    def deg_kernel(dst_hbm, ones_hbm, zeros_hbm, out_hbm, didx, ones_v, acc):
        c = lax.axis_index("c")
        s = lax.axis_index("s")
        tile = c * NUM_SUBCORES + s
        pltpu.sync_copy(ones_hbm, ones_v)
        pltpu.sync_copy(
            zeros_hbm.at[pl.ds(s * RPT, RPT)], acc.at[pl.ds(s * RPT, RPT)]
        )
        plsc.subcore_barrier()
        base = tile * ept

        def body(i, carry):
            off = base + i * CHUNK
            pltpu.sync_copy(dst_hbm.at[pl.ds(off, CHUNK)], didx)
            pltpu.sync_copy(ones_v, acc.at[didx], add=True)
            return carry

        lax.fori_loop(0, n_chunks, body, 0)
        plsc.subcore_barrier()
        pltpu.sync_copy(
            acc.at[pl.ds(s * RPT, RPT)],
            out_hbm.at[pl.ds(c * NPAD + s * RPT, RPT)],
        )

    return deg_kernel


def _make_msg_kernel(E):
    ept = E // NUM_TILES
    assert ept % CHUNK == 0
    n_chunks = ept // CHUNK

    @functools.partial(
        pl.kernel,
        out_type=jax.ShapeDtypeStruct((NUM_CORES * NPAD, F), jnp.float32),
        mesh=_sc_mesh(),
        scratch_types=[
            pltpu.VMEM((CHUNK,), jnp.int32),
            pltpu.VMEM((CHUNK,), jnp.int32),
            pltpu.VMEM((CHUNK, F), jnp.float32),
            pltpu.VMEM_SHARED((NPAD, F), jnp.float32),
            pltpu.SemaphoreType.DMA,
        ],
    )
    def msg_kernel(hs_hbm, src_hbm, dst_hbm, zeros_hbm, out_hbm,
                   sidx, didx, rows, acc, sem):
        c = lax.axis_index("c")
        s = lax.axis_index("s")
        tile = c * NUM_SUBCORES + s
        pltpu.sync_copy(
            zeros_hbm.at[pl.ds(s * RPT, RPT)], acc.at[pl.ds(s * RPT, RPT)]
        )
        plsc.subcore_barrier()
        base = tile * ept

        def body(i, carry):
            off = base + i * CHUNK
            pltpu.sync_copy(src_hbm.at[pl.ds(off, CHUNK)], sidx)
            pltpu.sync_copy(dst_hbm.at[pl.ds(off, CHUNK)], didx)
            pltpu.async_copy(hs_hbm.at[sidx], rows, sem).wait()
            pltpu.sync_copy(rows, acc.at[didx], add=True)
            return carry

        lax.fori_loop(0, n_chunks, body, 0)
        plsc.subcore_barrier()
        pltpu.sync_copy(
            acc.at[pl.ds(s * RPT, RPT)],
            out_hbm.at[pl.ds(c * NPAD + s * RPT, RPT)],
        )

    return msg_kernel


def _dinv(degA_ref, degB_ref):
    deg = degA_ref[:, 0:1] + degB_ref[:, 0:1] + 1.0
    return lax.rsqrt(deg)


def _tc_input(degA, degB, x, mask2, W0):
    def body(degA_ref, degB_ref, x_ref, mask_ref, w_ref, hs_ref):
        dinv = _dinv(degA_ref, degB_ref)
        h = x_ref[...] * mask_ref[...]
        hs_ref[...] = jnp.dot(
            h, w_ref[...], preferred_element_type=jnp.float32) * dinv

    return pl.pallas_call(
        body, out_shape=jax.ShapeDtypeStruct((N, F), jnp.float32)
    )(degA, degB, x, mask2, W0)


def _bn_relu_mask(u_ref_vals, g, be, mask):
    mu = jnp.mean(u_ref_vals, axis=0, keepdims=True)
    var = jnp.mean((u_ref_vals - mu) ** 2, axis=0, keepdims=True)
    h = (u_ref_vals - mu) * lax.rsqrt(var + 1e-5) * g + be
    return jnp.maximum(h, 0.0) * mask


def _tc_layer(degA, degB, aggA, aggB, hs, b2, g2, be2, mask2, Wn):
    def body(degA_ref, degB_ref, aggA_ref, aggB_ref, hs_ref, b_ref, g_ref,
             be_ref, mask_ref, w_ref, out_ref):
        dinv = _dinv(degA_ref, degB_ref)
        u = dinv * (aggA_ref[...] + aggB_ref[...] + hs_ref[...]) + b_ref[...]
        h = _bn_relu_mask(u, g_ref[...], be_ref[...], mask_ref[...])
        out_ref[...] = jnp.dot(
            h, w_ref[...], preferred_element_type=jnp.float32) * dinv

    return pl.pallas_call(
        body, out_shape=jax.ShapeDtypeStruct((N, F), jnp.float32)
    )(degA, degB, aggA, aggB, hs, b2, g2, be2, mask2, Wn)


def _tc_final(degA, degB, aggA, aggB, hs, b2, g2, be2, mask2, batch2,
              Wout, bout2):
    def body(degA_ref, degB_ref, aggA_ref, aggB_ref, hs_ref, b_ref, g_ref,
             be_ref, mask_ref, batch_ref, wout_ref, bout_ref, out_ref):
        dinv = _dinv(degA_ref, degB_ref)
        u = dinv * (aggA_ref[...] + aggB_ref[...] + hs_ref[...]) + b_ref[...]
        h = _bn_relu_mask(u, g_ref[...], be_ref[...], mask_ref[...])
        onehot = (batch_ref[...] == lax.broadcasted_iota(
            jnp.int32, (N, G), 1)).astype(jnp.float32)
        dn = (((0,), (0,)), ((), ()))
        pooled = lax.dot_general(
            onehot, h, dn, preferred_element_type=jnp.float32)
        counts = lax.dot_general(
            onehot, jnp.ones((N, 1), jnp.float32), dn,
            preferred_element_type=jnp.float32)
        out_ref[...] = (
            jnp.dot(pooled, wout_ref[...], preferred_element_type=jnp.float32)
            / jnp.maximum(counts, 1.0)
            + bout_ref[...]
        )

    return pl.pallas_call(
        body, out_shape=jax.ShapeDtypeStruct((G, 1), jnp.float32)
    )(degA, degB, aggA, aggB, hs, b2, g2, be2, mask2, batch2, Wout, bout2)


def kernel(x, edge_index, mask, batch, W0, b0, g0, be0, W1, b1, g1, be1,
           W2, b2, g2, be2, Wout, bout):
    E = edge_index.shape[1]
    src = edge_index[0]
    dst = edge_index[1]
    mask2 = mask[:, None]
    batch2 = batch[:, None]
    zeros_deg = jnp.zeros((NPAD, DEG_W), jnp.float32)
    ones_chunk = jnp.ones((CHUNK, DEG_W), jnp.float32)
    zeros_big = jnp.zeros((NPAD, F), jnp.float32)

    deg_parts = _make_deg_kernel(E)(dst, ones_chunk, zeros_deg)
    degA, degB = deg_parts[:N], deg_parts[NPAD:NPAD + N]

    msg = _make_msg_kernel(E)

    hs = _tc_input(degA, degB, x, mask2, W0)
    agg = msg(hs, src, dst, zeros_big)
    hs = _tc_layer(degA, degB, agg[:N], agg[NPAD:NPAD + N], hs,
                   b0[None, :], g0[None, :], be0[None, :], mask2, W1)
    agg = msg(hs, src, dst, zeros_big)
    hs = _tc_layer(degA, degB, agg[:N], agg[NPAD:NPAD + N], hs,
                   b1[None, :], g1[None, :], be1[None, :], mask2, W2)
    agg = msg(hs, src, dst, zeros_big)
    out = _tc_final(degA, degB, agg[:N], agg[NPAD:NPAD + N], hs,
                    b2[None, :], g2[None, :], be2[None, :], mask2, batch2,
                    Wout, bout[None, :])
    return out.reshape(G)

# --- scband reference (transcript-rebuilt; emitter-appended) ---
"""Pipeline reference for scband-mcx-m-gnn-17944373363255 (READ-ONLY COPY).

The authoritative reference and input builder live on the scoring server;
editing this copy changes nothing except your own understanding.
"""

import jax, jax.numpy as jnp
import numpy as np

N = 10000
E = 320000
F = 128
H = 128
G = 16


def setup_inputs(seed: int = 0) -> dict:
    key = jax.random.key(seed)
    ks = jax.random.split(key, 24)
    x = jax.random.normal(ks[0], (N, F), dtype=jnp.float32)
    edge_index = jax.random.randint(ks[1], (2, E), 0, N, dtype=jnp.int32)
    mask = jax.random.uniform(ks[2], (N,), dtype=jnp.float32)
    batch = jnp.sort(jax.random.randint(ks[3], (N,), 0, G, dtype=jnp.int32))

    def glorot(k, shape):
        return jax.random.normal(k, shape, dtype=jnp.float32) * (1.0 / np.sqrt(shape[0]))

    inp = {
        'x': x, 'edge_index': edge_index, 'mask': mask, 'batch': batch,
        'W0': glorot(ks[4], (F, H)), 'b0': jnp.zeros((H,), jnp.float32),
        'g0': jnp.ones((H,), jnp.float32), 'be0': jnp.zeros((H,), jnp.float32),
        'W1': glorot(ks[5], (H, H)), 'b1': jnp.zeros((H,), jnp.float32),
        'g1': jnp.ones((H,), jnp.float32), 'be1': jnp.zeros((H,), jnp.float32),
        'W2': glorot(ks[6], (H, H)), 'b2': jnp.zeros((H,), jnp.float32),
        'g2': jnp.ones((H,), jnp.float32), 'be2': jnp.zeros((H,), jnp.float32),
        'Wout': glorot(ks[7], (H, 1)), 'bout': jnp.zeros((1,), jnp.float32),
    }
    return inp


def reference(x, edge_index, mask, batch, W0, b0, g0, be0, W1, b1, g1, be1, W2, b2, g2, be2, Wout, bout):
    n = x.shape[0]
    src = edge_index[0]
    dst = edge_index[1]
    loop = jnp.arange(n, dtype=src.dtype)
    src_f = jnp.concatenate([src, loop])
    dst_f = jnp.concatenate([dst, loop])
    # GCN symmetric normalization with self-loops
    deg = jax.ops.segment_sum(jnp.ones_like(src_f, dtype=jnp.float32), dst_f, num_segments=n)
    dinv = jnp.where(deg > 0, jax.lax.rsqrt(jnp.maximum(deg, 1e-12)), 0.0)
    norm = dinv[src_f] * dinv[dst_f]

    def gcn(h, W, b):
        h = h @ W
        msgs = h[src_f] * norm[:, None]
        return jax.ops.segment_sum(msgs, dst_f, num_segments=n) + b

    def bn(h, g, be):
        mu = jnp.mean(h, axis=0)
        var = jnp.var(h, axis=0)
        return (h - mu) * jax.lax.rsqrt(var + 1e-5) * g + be

    h = x
    for (W, b, g, be) in ((W0, b0, g0, be0), (W1, b1, g1, be1), (W2, b2, g2, be2)):
        h = h * mask[:, None]
        h = gcn(h, W, b)
        h = bn(h, g, be)
        h = jax.nn.relu(h)
        # dropout omitted (eval mode / deterministic reference)
    h = h * mask[:, None]
    sums = jax.ops.segment_sum(h, batch, num_segments=G)
    counts = jax.ops.segment_sum(jnp.ones((n,), jnp.float32), batch, num_segments=G)
    graph_repr = sums / jnp.clip(counts, 1.0)[:, None]
    out = graph_repr @ Wout + bout
    return out.squeeze(-1)

if __name__ == "__main__":
    import jax
    _d = setup_inputs()
    print(jax.jit(kernel)(*tuple(_d.values())))

</pallas_src>

<mosaic_0001>
#map = affine_map<(d0, d1) -> (0)>
#map1 = affine_map<(d0, d1) -> (0, 0)>
module attributes {stable_mosaic.version = 14 : i64} {
  func.func @deg_kernel(%arg0: i32, %arg1: i32, %arg2: memref<320000xi32, #tpu.memory_space<hbm>>, %arg3: memref<80x16xf32, #tpu.memory_space<hbm>>, %arg4: memref<10240x16xf32, #tpu.memory_space<hbm>>, %arg5: memref<20480x16xf32, #tpu.memory_space<hbm>>, %arg6: memref<80xi32, #tpu.memory_space<vmem>>, %arg7: memref<80x16xf32, #tpu.memory_space<vmem>>, %arg8: memref<10240x16xf32, #tpu.memory_space<vmem_shared>>) attributes {dimension_semantics = [#tpu.dimension_semantics<core_parallel>, #tpu.dimension_semantics<subcore_parallel>], iteration_bounds = array<i64: 2, 16>, scalar_prefetch = 0 : i64, scratch_operands = 3 : i64, tpu.core_type = #tpu.core_type<sc_vector_subcore>, window_params = [{transform_indices = #map}, {transform_indices = #map1}, {transform_indices = #map1}, {transform_indices = #map1}]} {
    %mul3A = arith.constant 16 : i32
    %mul3A_0 = arith.muli %arg0, %mul3A : i32
    %add3A = arith.addi %mul3A_0, %arg1 : i32
    "tpu.region"() ({
      %run_scoped3A = tpu.sem_alloc : memref<!tpu.dma_semaphore, #tpu.memory_space<semaphore_mem>>
      tpu.enqueue_dma source(%arg3 : memref<80x16xf32, #tpu.memory_space<hbm>>) target(%arg7 : memref<80x16xf32, #tpu.memory_space<vmem>>) target_semaphore(%run_scoped3A : memref<!tpu.dma_semaphore, #tpu.memory_space<semaphore_mem>>)
      tpu.wait_dma2 semaphore(%run_scoped3A : memref<!tpu.dma_semaphore, #tpu.memory_space<semaphore_mem>>) src(%arg3 : memref<80x16xf32, #tpu.memory_space<hbm>>) dst(%arg7 : memref<80x16xf32, #tpu.memory_space<vmem>>)
      tpu.yield
    }) : () -> ()
    %mul3A_1 = arith.constant 640 : i32
    %mul3A_2 = arith.muli %arg1, %mul3A_1 : i32
    %mul3A_3 = arith.constant 640 : i32
    %mul3A_4 = arith.muli %arg1, %mul3A_3 : i32
    "tpu.region"() ({
      %run_scoped3A = tpu.sem_alloc : memref<!tpu.dma_semaphore, #tpu.memory_space<semaphore_mem>>
      %dma_start3A = arith.constant 0 : i32
      %dma_start3A_20 = tpu.memref_slice %arg8[%mul3A_4, %dma_start3A] : memref<10240x16xf32, #tpu.memory_space<vmem_shared>> -> memref<640x16xf32, #tpu.memory_space<vmem_shared>>
      %dma_start3A_21 = arith.constant 0 : i32
      %dma_start3A_22 = tpu.memref_slice %arg4[%mul3A_2, %dma_start3A_21] : memref<10240x16xf32, #tpu.memory_space<hbm>> -> memref<640x16xf32, #tpu.memory_space<hbm>>
      tpu.enqueue_dma source(%dma_start3A_22 : memref<640x16xf32, #tpu.memory_space<hbm>>) target(%dma_start3A_20 : memref<640x16xf32, #tpu.memory_space<vmem_shared>>) target_semaphore(%run_scoped3A : memref<!tpu.dma_semaphore, #tpu.memory_space<semaphore_mem>>)
      %dma_wait3A = arith.constant 0 : i32
      %dma_wait3A_23 = tpu.memref_slice %arg8[%mul3A_4, %dma_wait3A] : memref<10240x16xf32, #tpu.memory_space<vmem_shared>> -> memref<640x16xf32, #tpu.memory_space<vmem_shared>>
      %dma_wait3A_24 = arith.constant 0 : i32
      %dma_wait3A_25 = tpu.memref_slice %arg4[%mul3A_2, %dma_wait3A_24] : memref<10240x16xf32, #tpu.memory_space<hbm>> -> memref<640x16xf32, #tpu.memory_space<hbm>>
      tpu.wait_dma2 semaphore(%run_scoped3A : memref<!tpu.dma_semaphore, #tpu.memory_space<semaphore_mem>>) src(%dma_wait3A_25 : memref<640x16xf32, #tpu.memory_space<hbm>>) dst(%dma_wait3A_23 : memref<640x16xf32, #tpu.memory_space<vmem_shared>>)
      tpu.yield
    }) : () -> ()
    %barrier3A = arith.constant 0 : index
    tpu.barrier barrier_id(%barrier3A)
    %mul3A_5 = arith.constant 10000 : i32
    %mul3A_6 = arith.muli %add3A, %mul3A_5 : i32
    %scan3A = arith.constant 0 : i32
    %scan3A_7 = arith.constant 0 : i32
    %scan3A_8 = arith.constant 125 : i32
    %scan3A_9 = arith.addi %scan3A_7, %scan3A_8 : i32
    %scan3A_10 = arith.constant 1 : i32
    scf.for %scan3A_20 = %scan3A_7 to %scan3A_9 step %scan3A_10  : i32 {
      %mul3A_21 = arith.constant 80 : i32
      %mul3A_22 = arith.muli %scan3A_20, %mul3A_21 : i32
      %add3A_23 = arith.addi %mul3A_6, %mul3A_22 : i32
      "tpu.region"() ({
        %run_scoped3A = tpu.sem_alloc : memref<!tpu.dma_semaphore, #tpu.memory_space<semaphore_mem>>
        %dma_start3A = tpu.memref_slice %arg2[%add3A_23] : memref<320000xi32, #tpu.memory_space<hbm>> -> memref<80xi32, #tpu.memory_space<hbm>>
        %dma_start3A_24 = tpu.memref_slice %arg2[%add3A_23] : memref<320000xi32, #tpu.memory_space<hbm>> -> memref<80xi32, #tpu.memory_space<hbm>>
        tpu.enqueue_dma source(%dma_start3A_24 : memref<80xi32, #tpu.memory_space<hbm>>) target(%arg6 : memref<80xi32, #tpu.memory_space<vmem>>) target_semaphore(%run_scoped3A : memref<!tpu.dma_semaphore, #tpu.memory_space<semaphore_mem>>)
        %dma_wait3A = tpu.memref_slice %arg2[%add3A_23] : memref<320000xi32, #tpu.memory_space<hbm>> -> memref<80xi32, #tpu.memory_space<hbm>>
        %dma_wait3A_25 = tpu.memref_slice %arg2[%add3A_23] : memref<320000xi32, #tpu.memory_space<hbm>> -> memref<80xi32, #tpu.memory_space<hbm>>
        tpu.wait_dma2 semaphore(%run_scoped3A : memref<!tpu.dma_semaphore, #tpu.memory_space<semaphore_mem>>) src(%dma_wait3A_25 : memref<80xi32, #tpu.memory_space<hbm>>) dst(%arg6 : memref<80xi32, #tpu.memory_space<vmem>>)
        tpu.yield
      }) : () -> ()
      "tpu.region"() ({
        %run_scoped3A = tpu.sem_alloc : memref<!tpu.dma_semaphore, #tpu.memory_space<semaphore_mem>>
        %dma_start3A = arith.constant 0 : i32
        %dma_start3A_24 = arith.constant 0 : i32
        %dma_start3A_25 = tpu.memref_slice %arg8[%dma_start3A, %dma_start3A_24] : memref<10240x16xf32, #tpu.memory_space<vmem_shared>> -> memref<10240x16xf32, #tpu.memory_space<vmem_shared>>
        tpu.enqueue_indirect_dma source(%arg7 : memref<80x16xf32, #tpu.memory_space<vmem>>) target(%dma_start3A_25 : memref<10240x16xf32, #tpu.memory_space<vmem_shared>>) offsets(%arg6 : memref<80xi32, #tpu.memory_space<vmem>>) semaphore(%run_scoped3A : memref<!tpu.dma_semaphore, #tpu.memory_space<semaphore_mem>>) {add = true}
        %dma_wait3A = arith.constant 0 : i32
        %dma_wait3A_26 = arith.constant 0 : i32
        %dma_wait3A_27 = tpu.memref_slice %arg8[%dma_wait3A, %dma_wait3A_26] : memref<10240x16xf32, #tpu.memory_space<vmem_shared>> -> memref<10240x16xf32, #tpu.memory_space<vmem_shared>>
        tpu.wait_indirect_dma semaphore(%run_scoped3A : memref<!tpu.dma_semaphore, #tpu.memory_space<semaphore_mem>>) src(%arg7 : memref<80x16xf32, #tpu.memory_space<vmem>>) dst(%dma_wait3A_27 : memref<10240x16xf32, #tpu.memory_space<vmem_shared>>)
        tpu.yield
      }) : () -> ()
    }
    %scan3A_11 = arith.constant 125 : i32
    %barrier3A_12 = arith.constant 0 : index
    tpu.barrier barrier_id(%barrier3A_12)
    %mul3A_13 = arith.constant 640 : i32
    %mul3A_14 = arith.muli %arg1, %mul3A_13 : i32
    %mul3A_15 = arith.constant 10240 : i32
    %mul3A_16 = arith.muli %arg0, %mul3A_15 : i32
    %mul3A_17 = arith.constant 640 : i32
    %mul3A_18 = arith.muli %arg1, %mul3A_17 : i32
    %add3A_19 = arith.addi %mul3A_16, %mul3A_18 : i32
    "tpu.region"() ({
      %run_scoped3A = tpu.sem_alloc : memref<!tpu.dma_semaphore, #tpu.memory_space<semaphore_mem>>
      %dma_start3A = arith.constant 0 : i32
      %dma_start3A_20 = tpu.memref_slice %arg5[%add3A_19, %dma_start3A] : memref<20480x16xf32, #tpu.memory_space<hbm>> -> memref<640x16xf32, #tpu.memory_space<hbm>>
      %dma_start3A_21 = arith.constant 0 : i32
      %dma_start3A_22 = tpu.memref_slice %arg8[%mul3A_14, %dma_start3A_21] : memref<10240x16xf32, #tpu.memory_space<vmem_shared>> -> memref<640x16xf32, #tpu.memory_space<vmem_shared>>
      tpu.enqueue_dma source(%dma_start3A_22 : memref<640x16xf32, #tpu.memory_space<vmem_shared>>) target(%dma_start3A_20 : memref<640x16xf32, #tpu.memory_space<hbm>>) target_semaphore(%run_scoped3A : memref<!tpu.dma_semaphore, #tpu.memory_space<semaphore_mem>>)
      %dma_wait3A = arith.constant 0 : i32
      %dma_wait3A_23 = tpu.memref_slice %arg5[%add3A_19, %dma_wait3A] : memref<20480x16xf32, #tpu.memory_space<hbm>> -> memref<640x16xf32, #tpu.memory_space<hbm>>
      %dma_wait3A_24 = arith.constant 0 : i32
      %dma_wait3A_25 = tpu.memref_slice %arg8[%mul3A_14, %dma_wait3A_24] : memref<10240x16xf32, #tpu.memory_space<vmem_shared>> -> memref<640x16xf32, #tpu.memory_space<vmem_shared>>
      tpu.wait_dma2 semaphore(%run_scoped3A : memref<!tpu.dma_semaphore, #tpu.memory_space<semaphore_mem>>) src(%dma_wait3A_25 : memref<640x16xf32, #tpu.memory_space<vmem_shared>>) dst(%dma_wait3A_23 : memref<640x16xf32, #tpu.memory_space<hbm>>)
      tpu.yield
    }) : () -> ()
    return
  }
}

#map = affine_map<(d0, d1) -> (0, 0)>
#map1 = affine_map<(d0, d1) -> (0)>
module attributes {stable_mosaic.version = 14 : i64} {
  func.func @msg_kernel(%arg0: i32, %arg1: i32, %arg2: memref<10000x128xf32, #tpu.memory_space<hbm>>, %arg3: memref<320000xi32, #tpu.memory_space<hbm>>, %arg4: memref<320000xi32, #tpu.memory_space<hbm>>, %arg5: memref<10240x128xf32, #tpu.memory_space<hbm>>, %arg6: memref<20480x128xf32, #tpu.memory_space<hbm>>, %arg7: memref<80xi32, #tpu.memory_space<vmem>>, %arg8: memref<80xi32, #tpu.memory_space<vmem>>, %arg9: memref<80x128xf32, #tpu.memory_space<vmem>>, %arg10: memref<10240x128xf32, #tpu.memory_space<vmem_shared>>, %arg11: memref<!tpu.dma_semaphore, #tpu.memory_space<semaphore_mem>>) attributes {dimension_semantics = [#tpu.dimension_semantics<core_parallel>, #tpu.dimension_semantics<subcore_parallel>], iteration_bounds = array<i64: 2, 16>, scalar_prefetch = 0 : i64, scratch_operands = 5 : i64, tpu.core_type = #tpu.core_type<sc_vector_subcore>, window_params = [{transform_indices = #map}, {transform_indices = #map1}, {transform_indices = #map1}, {transform_indices = #map}, {transform_indices = #map}]} {
    %mul3A = arith.constant 16 : i32
    %mul3A_0 = arith.muli %arg0, %mul3A : i32
    %add3A = arith.addi %mul3A_0, %arg1 : i32
    %mul3A_1 = arith.constant 640 : i32
    %mul3A_2 = arith.muli %arg1, %mul3A_1 : i32
    %mul3A_3 = arith.constant 640 : i32
    %mul3A_4 = arith.muli %arg1, %mul3A_3 : i32
    "tpu.region"() ({
      %run_scoped3A = tpu.sem_alloc : memref<!tpu.dma_semaphore, #tpu.memory_space<semaphore_mem>>
      %dma_start3A = arith.constant 0 : i32
      %dma_start3A_20 = tpu.memref_slice %arg10[%mul3A_4, %dma_start3A] : memref<10240x128xf32, #tpu.memory_space<vmem_shared>> -> memref<640x128xf32, #tpu.memory_space<vmem_shared>>
      %dma_start3A_21 = arith.constant 0 : i32
      %dma_start3A_22 = tpu.memref_slice %arg5[%mul3A_2, %dma_start3A_21] : memref<10240x128xf32, #tpu.memory_space<hbm>> -> memref<640x128xf32, #tpu.memory_space<hbm>>
      tpu.enqueue_dma source(%dma_start3A_22 : memref<640x128xf32, #tpu.memory_space<hbm>>) target(%dma_start3A_20 : memref<640x128xf32, #tpu.memory_space<vmem_shared>>) target_semaphore(%run_scoped3A : memref<!tpu.dma_semaphore, #tpu.memory_space<semaphore_mem>>)
      %dma_wait3A = arith.constant 0 : i32
      %dma_wait3A_23 = tpu.memref_slice %arg10[%mul3A_4, %dma_wait3A] : memref<10240x128xf32, #tpu.memory_space<vmem_shared>> -> memref<640x128xf32, #tpu.memory_space<vmem_shared>>
      %dma_wait3A_24 = arith.constant 0 : i32
      %dma_wait3A_25 = tpu.memref_slice %arg5[%mul3A_2, %dma_wait3A_24] : memref<10240x128xf32, #tpu.memory_space<hbm>> -> memref<640x128xf32, #tpu.memory_space<hbm>>
      tpu.wait_dma2 semaphore(%run_scoped3A : memref<!tpu.dma_semaphore, #tpu.memory_space<semaphore_mem>>) src(%dma_wait3A_25 : memref<640x128xf32, #tpu.memory_space<hbm>>) dst(%dma_wait3A_23 : memref<640x128xf32, #tpu.memory_space<vmem_shared>>)
      tpu.yield
    }) : () -> ()
    %barrier3A = arith.constant 0 : index
    tpu.barrier barrier_id(%barrier3A)
    %mul3A_5 = arith.constant 10000 : i32
    %mul3A_6 = arith.muli %add3A, %mul3A_5 : i32
    %scan3A = arith.constant 0 : i32
    %scan3A_7 = arith.constant 0 : i32
    %scan3A_8 = arith.constant 125 : i32
    %scan3A_9 = arith.addi %scan3A_7, %scan3A_8 : i32
    %scan3A_10 = arith.constant 1 : i32
    scf.for %scan3A_20 = %scan3A_7 to %scan3A_9 step %scan3A_10  : i32 {
      %mul3A_21 = arith.constant 80 : i32
      %mul3A_22 = arith.muli %scan3A_20, %mul3A_21 : i32
      %add3A_23 = arith.addi %mul3A_6, %mul3A_22 : i32
      "tpu.region"() ({
        %run_scoped3A = tpu.sem_alloc : memref<!tpu.dma_semaphore, #tpu.memory_space<semaphore_mem>>
        %dma_start3A_28 = tpu.memref_slice %arg3[%add3A_23] : memref<320000xi32, #tpu.memory_space<hbm>> -> memref<80xi32, #tpu.memory_space<hbm>>
        %dma_start3A_29 = tpu.memref_slice %arg3[%add3A_23] : memref<320000xi32, #tpu.memory_space<hbm>> -> memref<80xi32, #tpu.memory_space<hbm>>
        tpu.enqueue_dma source(%dma_start3A_29 : memref<80xi32, #tpu.memory_space<hbm>>) target(%arg7 : memref<80xi32, #tpu.memory_space<vmem>>) target_semaphore(%run_scoped3A : memref<!tpu.dma_semaphore, #tpu.memory_space<semaphore_mem>>)
        %dma_wait3A_30 = tpu.memref_slice %arg3[%add3A_23] : memref<320000xi32, #tpu.memory_space<hbm>> -> memref<80xi32, #tpu.memory_space<hbm>>
        %dma_wait3A_31 = tpu.memref_slice %arg3[%add3A_23] : memref<320000xi32, #tpu.memory_space<hbm>> -> memref<80xi32, #tpu.memory_space<hbm>>
        tpu.wait_dma2 semaphore(%run_scoped3A : memref<!tpu.dma_semaphore, #tpu.memory_space<semaphore_mem>>) src(%dma_wait3A_31 : memref<80xi32, #tpu.memory_space<hbm>>) dst(%arg7 : memref<80xi32, #tpu.memory_space<vmem>>)
        tpu.yield
      }) : () -> ()
      "tpu.region"() ({
        %run_scoped3A = tpu.sem_alloc : memref<!tpu.dma_semaphore, #tpu.memory_space<semaphore_mem>>
        %dma_start3A_28 = tpu.memref_slice %arg4[%add3A_23] : memref<320000xi32, #tpu.memory_space<hbm>> -> memref<80xi32, #tpu.memory_space<hbm>>
        %dma_start3A_29 = tpu.memref_slice %arg4[%add3A_23] : memref<320000xi32, #tpu.memory_space<hbm>> -> memref<80xi32, #tpu.memory_space<hbm>>
        tpu.enqueue_dma source(%dma_start3A_29 : memref<80xi32, #tpu.memory_space<hbm>>) target(%arg8 : memref<80xi32, #tpu.memory_space<vmem>>) target_semaphore(%run_scoped3A : memref<!tpu.dma_semaphore, #tpu.memory_space<semaphore_mem>>)
        %dma_wait3A_30 = tpu.memref_slice %arg4[%add3A_23] : memref<320000xi32, #tpu.memory_space<hbm>> -> memref<80xi32, #tpu.memory_space<hbm>>
        %dma_wait3A_31 = tpu.memref_slice %arg4[%add3A_23] : memref<320000xi32, #tpu.memory_space<hbm>> -> memref<80xi32, #tpu.memory_space<hbm>>
        tpu.wait_dma2 semaphore(%run_scoped3A : memref<!tpu.dma_semaphore, #tpu.memory_space<semaphore_mem>>) src(%dma_wait3A_31 : memref<80xi32, #tpu.memory_space<hbm>>) dst(%arg8 : memref<80xi32, #tpu.memory_space<vmem>>)
        tpu.yield
      }) : () -> ()
      %dma_start3A = arith.constant 0 : i32
      %dma_start3A_24 = arith.constant 0 : i32
      %dma_start3A_25 = tpu.memref_slice %arg2[%dma_start3A, %dma_start3A_24] : memref<10000x128xf32, #tpu.memory_space<hbm>> -> memref<10000x128xf32, #tpu.memory_space<hbm>>
      tpu.enqueue_indirect_dma source(%dma_start3A_25 : memref<10000x128xf32, #tpu.memory_space<hbm>>) target(%arg9 : memref<80x128xf32, #tpu.memory_space<vmem>>) offsets(%arg7 : memref<80xi32, #tpu.memory_space<vmem>>) semaphore(%arg11 : memref<!tpu.dma_semaphore, #tpu.memory_space<semaphore_mem>>)
      %dma_wait3A = arith.constant 0 : i32
      %dma_wait3A_26 = arith.constant 0 : i32
      %dma_wait3A_27 = tpu.memref_slice %arg2[%dma_wait3A, %dma_wait3A_26] : memref<10000x128xf32, #tpu.memory_space<hbm>> -> memref<10000x128xf32, #tpu.memory_space<hbm>>
      tpu.wait_indirect_dma semaphore(%arg11 : memref<!tpu.dma_semaphore, #tpu.memory_space<semaphore_mem>>) src(%dma_wait3A_27 : memref<10000x128xf32, #tpu.memory_space<hbm>>) dst(%arg9 : memref<80x128xf32, #tpu.memory_space<vmem>>)
      "tpu.region"() ({
        %run_scoped3A = tpu.sem_alloc : memref<!tpu.dma_semaphore, #tpu.memory_space<semaphore_mem>>
        %dma_start3A_28 = arith.constant 0 : i32
        %dma_start3A_29 = arith.constant 0 : i32
        %dma_start3A_30 = tpu.memref_slice %arg10[%dma_start3A_28, %dma_start3A_29] : memref<10240x128xf32, #tpu.memory_space<vmem_shared>> -> memref<10240x128xf32, #tpu.memory_space<vmem_shared>>
        tpu.enqueue_indirect_dma source(%arg9 : memref<80x128xf32, #tpu.memory_space<vmem>>) target(%dma_start3A_30 : memref<10240x128xf32, #tpu.memory_space<vmem_shared>>) offsets(%arg8 : memref<80xi32, #tpu.memory_space<vmem>>) semaphore(%run_scoped3A : memref<!tpu.dma_semaphore, #tpu.memory_space<semaphore_mem>>) {add = true}
        %dma_wait3A_31 = arith.constant 0 : i32
        %dma_wait3A_32 = arith.constant 0 : i32
        %dma_wait3A_33 = tpu.memref_slice %arg10[%dma_wait3A_31, %dma_wait3A_32] : memref<10240x128xf32, #tpu.memory_space<vmem_shared>> -> memref<10240x128xf32, #tpu.memory_space<vmem_shared>>
        tpu.wait_indirect_dma semaphore(%run_scoped3A : memref<!tpu.dma_semaphore, #tpu.memory_space<semaphore_mem>>) src(%arg9 : memref<80x128xf32, #tpu.memory_space<vmem>>) dst(%dma_wait3A_33 : memref<10240x128xf32, #tpu.memory_space<vmem_shared>>)
        tpu.yield
      }) : () -> ()
    }
    %scan3A_11 = arith.constant 125 : i32
    %barrier3A_12 = arith.constant 0 : index
    tpu.barrier barrier_id(%barrier3A_12)
    %mul3A_13 = arith.constant 640 : i32
    %mul3A_14 = arith.muli %arg1, %mul3A_13 : i32
    %mul3A_15 = arith.constant 10240 : i32
    %mul3A_16 = arith.muli %arg0, %mul3A_15 : i32
    %mul3A_17 = arith.constant 640 : i32
    %mul3A_18 = arith.muli %arg1, %mul3A_17 : i32
    %add3A_19 = arith.addi %mul3A_16, %mul3A_18 : i32
    "tpu.region"() ({
      %run_scoped3A = tpu.sem_alloc : memref<!tpu.dma_semaphore, #tpu.memory_space<semaphore_mem>>
      %dma_start3A = arith.constant 0 : i32
      %dma_start3A_20 = tpu.memref_slice %arg6[%add3A_19, %dma_start3A] : memref<20480x128xf32, #tpu.memory_space<hbm>> -> memref<640x128xf32, #tpu.memory_space<hbm>>
      %dma_start3A_21 = arith.constant 0 : i32
      %dma_start3A_22 = tpu.memref_slice %arg10[%mul3A_14, %dma_start3A_21] : memref<10240x128xf32, #tpu.memory_space<vmem_shared>> -> memref<640x128xf32, #tpu.memory_space<vmem_shared>>
      tpu.enqueue_dma source(%dma_start3A_22 : memref<640x128xf32, #tpu.memory_space<vmem_shared>>) target(%dma_start3A_20 : memref<640x128xf32, #tpu.memory_space<hbm>>) target_semaphore(%run_scoped3A : memref<!tpu.dma_semaphore, #tpu.memory_space<semaphore_mem>>)
      %dma_wait3A = arith.constant 0 : i32
      %dma_wait3A_23 = tpu.memref_slice %arg6[%add3A_19, %dma_wait3A] : memref<20480x128xf32, #tpu.memory_space<hbm>> -> memref<640x128xf32, #tpu.memory_space<hbm>>
      %dma_wait3A_24 = arith.constant 0 : i32
      %dma_wait3A_25 = tpu.memref_slice %arg10[%mul3A_14, %dma_wait3A_24] : memref<10240x128xf32, #tpu.memory_space<vmem_shared>> -> memref<640x128xf32, #tpu.memory_space<vmem_shared>>
      tpu.wait_dma2 semaphore(%run_scoped3A : memref<!tpu.dma_semaphore, #tpu.memory_space<semaphore_mem>>) src(%dma_wait3A_25 : memref<640x128xf32, #tpu.memory_space<vmem_shared>>) dst(%dma_wait3A_23 : memref<640x128xf32, #tpu.memory_space<hbm>>)
      tpu.yield
    }) : () -> ()
    return
  }
}

#map = affine_map<(d0, d1) -> (0, 0)>
#map1 = affine_map<(d0, d1) -> (0)>
module attributes {stable_mosaic.version = 14 : i64} {
  func.func @msg_kernel(%arg0: i32, %arg1: i32, %arg2: memref<10000x128xf32, #tpu.memory_space<hbm>>, %arg3: memref<320000xi32, #tpu.memory_space<hbm>>, %arg4: memref<320000xi32, #tpu.memory_space<hbm>>, %arg5: memref<10240x128xf32, #tpu.memory_space<hbm>>, %arg6: memref<20480x128xf32, #tpu.memory_space<hbm>>, %arg7: memref<80xi32, #tpu.memory_space<vmem>>, %arg8: memref<80xi32, #tpu.memory_space<vmem>>, %arg9: memref<80x128xf32, #tpu.memory_space<vmem>>, %arg10: memref<10240x128xf32, #tpu.memory_space<vmem_shared>>, %arg11: memref<!tpu.dma_semaphore, #tpu.memory_space<semaphore_mem>>) attributes {dimension_semantics = [#tpu.dimension_semantics<core_parallel>, #tpu.dimension_semantics<subcore_parallel>], iteration_bounds = array<i64: 2, 16>, scalar_prefetch = 0 : i64, scratch_operands = 5 : i64, tpu.core_type = #tpu.core_type<sc_vector_subcore>, window_params = [{transform_indices = #map}, {transform_indices = #map1}, {transform_indices = #map1}, {transform_indices = #map}, {transform_indices = #map}]} {
    %mul3A = arith.constant 16 : i32
    %mul3A_0 = arith.muli %arg0, %mul3A : i32
    %add3A = arith.addi %mul3A_0, %arg1 : i32
    %mul3A_1 = arith.constant 640 : i32
    %mul3A_2 = arith.muli %arg1, %mul3A_1 : i32
    %mul3A_3 = arith.constant 640 : i32
    %mul3A_4 = arith.muli %arg1, %mul3A_3 : i32
    "tpu.region"() ({
      %run_scoped3A = tpu.sem_alloc : memref<!tpu.dma_semaphore, #tpu.memory_space<semaphore_mem>>
      %dma_start3A = arith.constant 0 : i32
      %dma_start3A_20 = tpu.memref_slice %arg10[%mul3A_4, %dma_start3A] : memref<10240x128xf32, #tpu.memory_space<vmem_shared>> -> memref<640x128xf32, #tpu.memory_space<vmem_shared>>
      %dma_start3A_21 = arith.constant 0 : i32
      %dma_start3A_22 = tpu.memref_slice %arg5[%mul3A_2, %dma_start3A_21] : memref<10240x128xf32, #tpu.memory_space<hbm>> -> memref<640x128xf32, #tpu.memory_space<hbm>>
      tpu.enqueue_dma source(%dma_start3A_22 : memref<640x128xf32, #tpu.memory_space<hbm>>) target(%dma_start3A_20 : memref<640x128xf32, #tpu.memory_space<vmem_shared>>) target_semaphore(%run_scoped3A : memref<!tpu.dma_semaphore, #tpu.memory_space<semaphore_mem>>)
      %dma_wait3A = arith.constant 0 : i32
      %dma_wait3A_23 = tpu.memref_slice %arg10[%mul3A_4, %dma_wait3A] : memref<10240x128xf32, #tpu.memory_space<vmem_shared>> -> memref<640x128xf32, #tpu.memory_space<vmem_shared>>
      %dma_wait3A_24 = arith.constant 0 : i32
      %dma_wait3A_25 = tpu.memref_slice %arg5[%mul3A_2, %dma_wait3A_24] : memref<10240x128xf32, #tpu.memory_space<hbm>> -> memref<640x128xf32, #tpu.memory_space<hbm>>
      tpu.wait_dma2 semaphore(%run_scoped3A : memref<!tpu.dma_semaphore, #tpu.memory_space<semaphore_mem>>) src(%dma_wait3A_25 : memref<640x128xf32, #tpu.memory_space<hbm>>) dst(%dma_wait3A_23 : memref<640x128xf32, #tpu.memory_space<vmem_shared>>)
      tpu.yield
    }) : () -> ()
    %barrier3A = arith.constant 0 : index
    tpu.barrier barrier_id(%barrier3A)
    %mul3A_5 = arith.constant 10000 : i32
    %mul3A_6 = arith.muli %add3A, %mul3A_5 : i32
    %scan3A = arith.constant 0 : i32
    %scan3A_7 = arith.constant 0 : i32
    %scan3A_8 = arith.constant 125 : i32
    %scan3A_9 = arith.addi %scan3A_7, %scan3A_8 : i32
    %scan3A_10 = arith.constant 1 : i32
    scf.for %scan3A_20 = %scan3A_7 to %scan3A_9 step %scan3A_10  : i32 {
      %mul3A_21 = arith.constant 80 : i32
      %mul3A_22 = arith.muli %scan3A_20, %mul3A_21 : i32
      %add3A_23 = arith.addi %mul3A_6, %mul3A_22 : i32
      "tpu.region"() ({
        %run_scoped3A = tpu.sem_alloc : memref<!tpu.dma_semaphore, #tpu.memory_space<semaphore_mem>>
        %dma_start3A_28 = tpu.memref_slice %arg3[%add3A_23] : memref<320000xi32, #tpu.memory_space<hbm>> -> memref<80xi32, #tpu.memory_space<hbm>>
        %dma_start3A_29 = tpu.memref_slice %arg3[%add3A_23] : memref<320000xi32, #tpu.memory_space<hbm>> -> memref<80xi32, #tpu.memory_space<hbm>>
        tpu.enqueue_dma source(%dma_start3A_29 : memref<80xi32, #tpu.memory_space<hbm>>) target(%arg7 : memref<80xi32, #tpu.memory_space<vmem>>) target_semaphore(%run_scoped3A : memref<!tpu.dma_semaphore, #tpu.memory_space<semaphore_mem>>)
        %dma_wait3A_30 = tpu.memref_slice %arg3[%add3A_23] : memref<320000xi32, #tpu.memory_space<hbm>> -> memref<80xi32, #tpu.memory_space<hbm>>
        %dma_wait3A_31 = tpu.memref_slice %arg3[%add3A_23] : memref<320000xi32, #tpu.memory_space<hbm>> -> memref<80xi32, #tpu.memory_space<hbm>>
        tpu.wait_dma2 semaphore(%run_scoped3A : memref<!tpu.dma_semaphore, #tpu.memory_space<semaphore_mem>>) src(%dma_wait3A_31 : memref<80xi32, #tpu.memory_space<hbm>>) dst(%arg7 : memref<80xi32, #tpu.memory_space<vmem>>)
        tpu.yield
      }) : () -> ()
      "tpu.region"() ({
        %run_scoped3A = tpu.sem_alloc : memref<!tpu.dma_semaphore, #tpu.memory_space<semaphore_mem>>
        %dma_start3A_28 = tpu.memref_slice %arg4[%add3A_23] : memref<320000xi32, #tpu.memory_space<hbm>> -> memref<80xi32, #tpu.memory_space<hbm>>
        %dma_start3A_29 = tpu.memref_slice %arg4[%add3A_23] : memref<320000xi32, #tpu.memory_space<hbm>> -> memref<80xi32, #tpu.memory_space<hbm>>
        tpu.enqueue_dma source(%dma_start3A_29 : memref<80xi32, #tpu.memory_space<hbm>>) target(%arg8 : memref<80xi32, #tpu.memory_space<vmem>>) target_semaphore(%run_scoped3A : memref<!tpu.dma_semaphore, #tpu.memory_space<semaphore_mem>>)
        %dma_wait3A_30 = tpu.memref_slice %arg4[%add3A_23] : memref<320000xi32, #tpu.memory_space<hbm>> -> memref<80xi32, #tpu.memory_space<hbm>>
        %dma_wait3A_31 = tpu.memref_slice %arg4[%add3A_23] : memref<320000xi32, #tpu.memory_space<hbm>> -> memref<80xi32, #tpu.memory_space<hbm>>
        tpu.wait_dma2 semaphore(%run_scoped3A : memref<!tpu.dma_semaphore, #tpu.memory_space<semaphore_mem>>) src(%dma_wait3A_31 : memref<80xi32, #tpu.memory_space<hbm>>) dst(%arg8 : memref<80xi32, #tpu.memory_space<vmem>>)
        tpu.yield
      }) : () -> ()
      %dma_start3A = arith.constant 0 : i32
      %dma_start3A_24 = arith.constant 0 : i32
      %dma_start3A_25 = tpu.memref_slice %arg2[%dma_start3A, %dma_start3A_24] : memref<10000x128xf32, #tpu.memory_space<hbm>> -> memref<10000x128xf32, #tpu.memory_space<hbm>>
      tpu.enqueue_indirect_dma source(%dma_start3A_25 : memref<10000x128xf32, #tpu.memory_space<hbm>>) target(%arg9 : memref<80x128xf32, #tpu.memory_space<vmem>>) offsets(%arg7 : memref<80xi32, #tpu.memory_space<vmem>>) semaphore(%arg11 : memref<!tpu.dma_semaphore, #tpu.memory_space<semaphore_mem>>)
      %dma_wait3A = arith.constant 0 : i32
      %dma_wait3A_26 = arith.constant 0 : i32
      %dma_wait3A_27 = tpu.memref_slice %arg2[%dma_wait3A, %dma_wait3A_26] : memref<10000x128xf32, #tpu.memory_space<hbm>> -> memref<10000x128xf32, #tpu.memory_space<hbm>>
      tpu.wait_indirect_dma semaphore(%arg11 : memref<!tpu.dma_semaphore, #tpu.memory_space<semaphore_mem>>) src(%dma_wait3A_27 : memref<10000x128xf32, #tpu.memory_space<hbm>>) dst(%arg9 : memref<80x128xf32, #tpu.memory_space<vmem>>)
      "tpu.region"() ({
        %run_scoped3A = tpu.sem_alloc : memref<!tpu.dma_semaphore, #tpu.memory_space<semaphore_mem>>
        %dma_start3A_28 = arith.constant 0 : i32
        %dma_start3A_29 = arith.constant 0 : i32
        %dma_start3A_30 = tpu.memref_slice %arg10[%dma_start3A_28, %dma_start3A_29] : memref<10240x128xf32, #tpu.memory_space<vmem_shared>> -> memref<10240x128xf32, #tpu.memory_space<vmem_shared>>
        tpu.enqueue_indirect_dma source(%arg9 : memref<80x128xf32, #tpu.memory_space<vmem>>) target(%dma_start3A_30 : memref<10240x128xf32, #tpu.memory_space<vmem_shared>>) offsets(%arg8 : memref<80xi32, #tpu.memory_space<vmem>>) semaphore(%run_scoped3A : memref<!tpu.dma_semaphore, #tpu.memory_space<semaphore_mem>>) {add = true}
        %dma_wait3A_31 = arith.constant 0 : i32
        %dma_wait3A_32 = arith.constant 0 : i32
        %dma_wait3A_33 = tpu.memref_slice %arg10[%dma_wait3A_31, %dma_wait3A_32] : memref<10240x128xf32, #tpu.memory_space<vmem_shared>> -> memref<10240x128xf32, #tpu.memory_space<vmem_shared>>
        tpu.wait_indirect_dma semaphore(%run_scoped3A : memref<!tpu.dma_semaphore, #tpu.memory_space<semaphore_mem>>) src(%arg9 : memref<80x128xf32, #tpu.memory_space<vmem>>) dst(%dma_wait3A_33 : memref<10240x128xf32, #tpu.memory_space<vmem_shared>>)
        tpu.yield
      }) : () -> ()
    }
    %scan3A_11 = arith.constant 125 : i32
    %barrier3A_12 = arith.constant 0 : index
    tpu.barrier barrier_id(%barrier3A_12)
    %mul3A_13 = arith.constant 640 : i32
    %mul3A_14 = arith.muli %arg1, %mul3A_13 : i32
    %mul3A_15 = arith.constant 10240 : i32
    %mul3A_16 = arith.muli %arg0, %mul3A_15 : i32
    %mul3A_17 = arith.constant 640 : i32
    %mul3A_18 = arith.muli %arg1, %mul3A_17 : i32
    %add3A_19 = arith.addi %mul3A_16, %mul3A_18 : i32
    "tpu.region"() ({
      %run_scoped3A = tpu.sem_alloc : memref<!tpu.dma_semaphore, #tpu.memory_space<semaphore_mem>>
      %dma_start3A = arith.constant 0 : i32
      %dma_start3A_20 = tpu.memref_slice %arg6[%add3A_19, %dma_start3A] : memref<20480x128xf32, #tpu.memory_space<hbm>> -> memref<640x128xf32, #tpu.memory_space<hbm>>
      %dma_start3A_21 = arith.constant 0 : i32
      %dma_start3A_22 = tpu.memref_slice %arg10[%mul3A_14, %dma_start3A_21] : memref<10240x128xf32, #tpu.memory_space<vmem_shared>> -> memref<640x128xf32, #tpu.memory_space<vmem_shared>>
      tpu.enqueue_dma source(%dma_start3A_22 : memref<640x128xf32, #tpu.memory_space<vmem_shared>>) target(%dma_start3A_20 : memref<640x128xf32, #tpu.memory_space<hbm>>) target_semaphore(%run_scoped3A : memref<!tpu.dma_semaphore, #tpu.memory_space<semaphore_mem>>)
      %dma_wait3A = arith.constant 0 : i32
      %dma_wait3A_23 = tpu.memref_slice %arg6[%add3A_19, %dma_wait3A] : memref<20480x128xf32, #tpu.memory_space<hbm>> -> memref<640x128xf32, #tpu.memory_space<hbm>>
      %dma_wait3A_24 = arith.constant 0 : i32
      %dma_wait3A_25 = tpu.memref_slice %arg10[%mul3A_14, %dma_wait3A_24] : memref<10240x128xf32, #tpu.memory_space<vmem_shared>> -> memref<640x128xf32, #tpu.memory_space<vmem_shared>>
      tpu.wait_dma2 semaphore(%run_scoped3A : memref<!tpu.dma_semaphore, #tpu.memory_space<semaphore_mem>>) src(%dma_wait3A_25 : memref<640x128xf32, #tpu.memory_space<vmem_shared>>) dst(%dma_wait3A_23 : memref<640x128xf32, #tpu.memory_space<hbm>>)
      tpu.yield
    }) : () -> ()
    return
  }
}

#map = affine_map<(d0, d1) -> (0, 0)>
#map1 = affine_map<(d0, d1) -> (0)>
module attributes {stable_mosaic.version = 14 : i64} {
  func.func @msg_kernel(%arg0: i32, %arg1: i32, %arg2: memref<10000x128xf32, #tpu.memory_space<hbm>>, %arg3: memref<320000xi32, #tpu.memory_space<hbm>>, %arg4: memref<320000xi32, #tpu.memory_space<hbm>>, %arg5: memref<10240x128xf32, #tpu.memory_space<hbm>>, %arg6: memref<20480x128xf32, #tpu.memory_space<hbm>>, %arg7: memref<80xi32, #tpu.memory_space<vmem>>, %arg8: memref<80xi32, #tpu.memory_space<vmem>>, %arg9: memref<80x128xf32, #tpu.memory_space<vmem>>, %arg10: memref<10240x128xf32, #tpu.memory_space<vmem_shared>>, %arg11: memref<!tpu.dma_semaphore, #tpu.memory_space<semaphore_mem>>) attributes {dimension_semantics = [#tpu.dimension_semantics<core_parallel>, #tpu.dimension_semantics<subcore_parallel>], iteration_bounds = array<i64: 2, 16>, scalar_prefetch = 0 : i64, scratch_operands = 5 : i64, tpu.core_type = #tpu.core_type<sc_vector_subcore>, window_params = [{transform_indices = #map}, {transform_indices = #map1}, {transform_indices = #map1}, {transform_indices = #map}, {transform_indices = #map}]} {
    %mul3A = arith.constant 16 : i32
    %mul3A_0 = arith.muli %arg0, %mul3A : i32
    %add3A = arith.addi %mul3A_0, %arg1 : i32
    %mul3A_1 = arith.constant 640 : i32
    %mul3A_2 = arith.muli %arg1, %mul3A_1 : i32
    %mul3A_3 = arith.constant 640 : i32
    %mul3A_4 = arith.muli %arg1, %mul3A_3 : i32
    "tpu.region"() ({
      %run_scoped3A = tpu.sem_alloc : memref<!tpu.dma_semaphore, #tpu.memory_space<semaphore_mem>>
      %dma_start3A = arith.constant 0 : i32
      %dma_start3A_20 = tpu.memref_slice %arg10[%mul3A_4, %dma_start3A] : memref<10240x128xf32, #tpu.memory_space<vmem_shared>> -> memref<640x128xf32, #tpu.memory_space<vmem_shared>>
      %dma_start3A_21 = arith.constant 0 : i32
      %dma_start3A_22 = tpu.memref_slice %arg5[%mul3A_2, %dma_start3A_21] : memref<10240x128xf32, #tpu.memory_space<hbm>> -> memref<640x128xf32, #tpu.memory_space<hbm>>
      tpu.enqueue_dma source(%dma_start3A_22 : memref<640x128xf32, #tpu.memory_space<hbm>>) target(%dma_start3A_20 : memref<640x128xf32, #tpu.memory_space<vmem_shared>>) target_semaphore(%run_scoped3A : memref<!tpu.dma_semaphore, #tpu.memory_space<semaphore_mem>>)
      %dma_wait3A = arith.constant 0 : i32
      %dma_wait3A_23 = tpu.memref_slice %arg10[%mul3A_4, %dma_wait3A] : memref<10240x128xf32, #tpu.memory_space<vmem_shared>> -> memref<640x128xf32, #tpu.memory_space<vmem_shared>>
      %dma_wait3A_24 = arith.constant 0 : i32
      %dma_wait3A_25 = tpu.memref_slice %arg5[%mul3A_2, %dma_wait3A_24] : memref<10240x128xf32, #tpu.memory_space<hbm>> -> memref<640x128xf32, #tpu.memory_space<hbm>>
      tpu.wait_dma2 semaphore(%run_scoped3A : memref<!tpu.dma_semaphore, #tpu.memory_space<semaphore_mem>>) src(%dma_wait3A_25 : memref<640x128xf32, #tpu.memory_space<hbm>>) dst(%dma_wait3A_23 : memref<640x128xf32, #tpu.memory_space<vmem_shared>>)
      tpu.yield
    }) : () -> ()
    %barrier3A = arith.constant 0 : index
    tpu.barrier barrier_id(%barrier3A)
    %mul3A_5 = arith.constant 10000 : i32
    %mul3A_6 = arith.muli %add3A, %mul3A_5 : i32
    %scan3A = arith.constant 0 : i32
    %scan3A_7 = arith.constant 0 : i32
    %scan3A_8 = arith.constant 125 : i32
    %scan3A_9 = arith.addi %scan3A_7, %scan3A_8 : i32
    %scan3A_10 = arith.constant 1 : i32
    scf.for %scan3A_20 = %scan3A_7 to %scan3A_9 step %scan3A_10  : i32 {
      %mul3A_21 = arith.constant 80 : i32
      %mul3A_22 = arith.muli %scan3A_20, %mul3A_21 : i32
      %add3A_23 = arith.addi %mul3A_6, %mul3A_22 : i32
      "tpu.region"() ({
        %run_scoped3A = tpu.sem_alloc : memref<!tpu.dma_semaphore, #tpu.memory_space<semaphore_mem>>
        %dma_start3A_28 = tpu.memref_slice %arg3[%add3A_23] : memref<320000xi32, #tpu.memory_space<hbm>> -> memref<80xi32, #tpu.memory_space<hbm>>
        %dma_start3A_29 = tpu.memref_slice %arg3[%add3A_23] : memref<320000xi32, #tpu.memory_space<hbm>> -> memref<80xi32, #tpu.memory_space<hbm>>
        tpu.enqueue_dma source(%dma_start3A_29 : memref<80xi32, #tpu.memory_space<hbm>>) target(%arg7 : memref<80xi32, #tpu.memory_space<vmem>>) target_semaphore(%run_scoped3A : memref<!tpu.dma_semaphore, #tpu.memory_space<semaphore_mem>>)
        %dma_wait3A_30 = tpu.memref_slice %arg3[%add3A_23] : memref<320000xi32, #tpu.memory_space<hbm>> -> memref<80xi32, #tpu.memory_space<hbm>>
        %dma_wait3A_31 = tpu.memref_slice %arg3[%add3A_23] : memref<320000xi32, #tpu.memory_space<hbm>> -> memref<80xi32, #tpu.memory_space<hbm>>
        tpu.wait_dma2 semaphore(%run_scoped3A : memref<!tpu.dma_semaphore, #tpu.memory_space<semaphore_mem>>) src(%dma_wait3A_31 : memref<80xi32, #tpu.memory_space<hbm>>) dst(%arg7 : memref<80xi32, #tpu.memory_space<vmem>>)
        tpu.yield
      }) : () -> ()
      "tpu.region"() ({
        %run_scoped3A = tpu.sem_alloc : memref<!tpu.dma_semaphore, #tpu.memory_space<semaphore_mem>>
        %dma_start3A_28 = tpu.memref_slice %arg4[%add3A_23] : memref<320000xi32, #tpu.memory_space<hbm>> -> memref<80xi32, #tpu.memory_space<hbm>>
        %dma_start3A_29 = tpu.memref_slice %arg4[%add3A_23] : memref<320000xi32, #tpu.memory_space<hbm>> -> memref<80xi32, #tpu.memory_space<hbm>>
        tpu.enqueue_dma source(%dma_start3A_29 : memref<80xi32, #tpu.memory_space<hbm>>) target(%arg8 : memref<80xi32, #tpu.memory_space<vmem>>) target_semaphore(%run_scoped3A : memref<!tpu.dma_semaphore, #tpu.memory_space<semaphore_mem>>)
        %dma_wait3A_30 = tpu.memref_slice %arg4[%add3A_23] : memref<320000xi32, #tpu.memory_space<hbm>> -> memref<80xi32, #tpu.memory_space<hbm>>
        %dma_wait3A_31 = tpu.memref_slice %arg4[%add3A_23] : memref<320000xi32, #tpu.memory_space<hbm>> -> memref<80xi32, #tpu.memory_space<hbm>>
        tpu.wait_dma2 semaphore(%run_scoped3A : memref<!tpu.dma_semaphore, #tpu.memory_space<semaphore_mem>>) src(%dma_wait3A_31 : memref<80xi32, #tpu.memory_space<hbm>>) dst(%arg8 : memref<80xi32, #tpu.memory_space<vmem>>)
        tpu.yield
      }) : () -> ()
      %dma_start3A = arith.constant 0 : i32
      %dma_start3A_24 = arith.constant 0 : i32
      %dma_start3A_25 = tpu.memref_slice %arg2[%dma_start3A, %dma_start3A_24] : memref<10000x128xf32, #tpu.memory_space<hbm>> -> memref<10000x128xf32, #tpu.memory_space<hbm>>
      tpu.enqueue_indirect_dma source(%dma_start3A_25 : memref<10000x128xf32, #tpu.memory_space<hbm>>) target(%arg9 : memref<80x128xf32, #tpu.memory_space<vmem>>) offsets(%arg7 : memref<80xi32, #tpu.memory_space<vmem>>) semaphore(%arg11 : memref<!tpu.dma_semaphore, #tpu.memory_space<semaphore_mem>>)
      %dma_wait3A = arith.constant 0 : i32
      %dma_wait3A_26 = arith.constant 0 : i32
      %dma_wait3A_27 = tpu.memref_slice %arg2[%dma_wait3A, %dma_wait3A_26] : memref<10000x128xf32, #tpu.memory_space<hbm>> -> memref<10000x128xf32, #tpu.memory_space<hbm>>
      tpu.wait_indirect_dma semaphore(%arg11 : memref<!tpu.dma_semaphore, #tpu.memory_space<semaphore_mem>>) src(%dma_wait3A_27 : memref<10000x128xf32, #tpu.memory_space<hbm>>) dst(%arg9 : memref<80x128xf32, #tpu.memory_space<vmem>>)
      "tpu.region"() ({
        %run_scoped3A = tpu.sem_alloc : memref<!tpu.dma_semaphore, #tpu.memory_space<semaphore_mem>>
        %dma_start3A_28 = arith.constant 0 : i32
        %dma_start3A_29 = arith.constant 0 : i32
        %dma_start3A_30 = tpu.memref_slice %arg10[%dma_start3A_28, %dma_start3A_29] : memref<10240x128xf32, #tpu.memory_space<vmem_shared>> -> memref<10240x128xf32, #tpu.memory_space<vmem_shared>>
        tpu.enqueue_indirect_dma source(%arg9 : memref<80x128xf32, #tpu.memory_space<vmem>>) target(%dma_start3A_30 : memref<10240x128xf32, #tpu.memory_space<vmem_shared>>) offsets(%arg8 : memref<80xi32, #tpu.memory_space<vmem>>) semaphore(%run_scoped3A : memref<!tpu.dma_semaphore, #tpu.memory_space<semaphore_mem>>) {add = true}
        %dma_wait3A_31 = arith.constant 0 : i32
        %dma_wait3A_32 = arith.constant 0 : i32
        %dma_wait3A_33 = tpu.memref_slice %arg10[%dma_wait3A_31, %dma_wait3A_32] : memref<10240x128xf32, #tpu.memory_space<vmem_shared>> -> memref<10240x128xf32, #tpu.memory_space<vmem_shared>>
        tpu.wait_indirect_dma semaphore(%run_scoped3A : memref<!tpu.dma_semaphore, #tpu.memory_space<semaphore_mem>>) src(%arg9 : memref<80x128xf32, #tpu.memory_space<vmem>>) dst(%dma_wait3A_33 : memref<10240x128xf32, #tpu.memory_space<vmem_shared>>)
        tpu.yield
      }) : () -> ()
    }
    %scan3A_11 = arith.constant 125 : i32
    %barrier3A_12 = arith.constant 0 : index
    tpu.barrier barrier_id(%barrier3A_12)
    %mul3A_13 = arith.constant 640 : i32
    %mul3A_14 = arith.muli %arg1, %mul3A_13 : i32
    %mul3A_15 = arith.constant 10240 : i32
    %mul3A_16 = arith.muli %arg0, %mul3A_15 : i32
    %mul3A_17 = arith.constant 640 : i32
    %mul3A_18 = arith.muli %arg1, %mul3A_17 : i32
    %add3A_19 = arith.addi %mul3A_16, %mul3A_18 : i32
    "tpu.region"() ({
      %run_scoped3A = tpu.sem_alloc : memref<!tpu.dma_semaphore, #tpu.memory_space<semaphore_mem>>
      %dma_start3A = arith.constant 0 : i32
      %dma_start3A_20 = tpu.memref_slice %arg6[%add3A_19, %dma_start3A] : memref<20480x128xf32, #tpu.memory_space<hbm>> -> memref<640x128xf32, #tpu.memory_space<hbm>>
      %dma_start3A_21 = arith.constant 0 : i32
      %dma_start3A_22 = tpu.memref_slice %arg10[%mul3A_14, %dma_start3A_21] : memref<10240x128xf32, #tpu.memory_space<vmem_shared>> -> memref<640x128xf32, #tpu.memory_space<vmem_shared>>
      tpu.enqueue_dma source(%dma_start3A_22 : memref<640x128xf32, #tpu.memory_space<vmem_shared>>) target(%dma_start3A_20 : memref<640x128xf32, #tpu.memory_space<hbm>>) target_semaphore(%run_scoped3A : memref<!tpu.dma_semaphore, #tpu.memory_space<semaphore_mem>>)
      %dma_wait3A = arith.constant 0 : i32
      %dma_wait3A_23 = tpu.memref_slice %arg6[%add3A_19, %dma_wait3A] : memref<20480x128xf32, #tpu.memory_space<hbm>> -> memref<640x128xf32, #tpu.memory_space<hbm>>
      %dma_wait3A_24 = arith.constant 0 : i32
      %dma_wait3A_25 = tpu.memref_slice %arg10[%mul3A_14, %dma_wait3A_24] : memref<10240x128xf32, #tpu.memory_space<vmem_shared>> -> memref<640x128xf32, #tpu.memory_space<vmem_shared>>
      tpu.wait_dma2 semaphore(%run_scoped3A : memref<!tpu.dma_semaphore, #tpu.memory_space<semaphore_mem>>) src(%dma_wait3A_25 : memref<640x128xf32, #tpu.memory_space<vmem_shared>>) dst(%dma_wait3A_23 : memref<640x128xf32, #tpu.memory_space<hbm>>)
      tpu.yield
    }) : () -> ()
    return
  }
}

module attributes {stable_mosaic.version = 14 : i64} {
  func.func @body(%arg0: memref<10000x16xf32, #tpu.memory_space<vmem>>, %arg1: memref<10000x16xf32, #tpu.memory_space<vmem>>, %arg2: memref<10000x128xf32, #tpu.memory_space<vmem>>, %arg3: memref<10000x1xf32, #tpu.memory_space<vmem>>, %arg4: memref<128x128xf32, #tpu.memory_space<vmem>>, %arg5: memref<10000x128xf32, #tpu.memory_space<vmem>>) attributes {dimension_semantics = [], scalar_prefetch = 0 : i64, scratch_operands = 0 : i64, tpu.core_type = #tpu.core_type<tc>} {
    %get3A = arith.constant 0 : index
    %get3A_0 = arith.constant 0 : index
    %get3A_1 = vector.load %arg0[%get3A, %get3A_0] : memref<10000x16xf32, #tpu.memory_space<vmem>>, vector<10000x1xf32>
    %get3A_2 = arith.constant 0 : index
    %get3A_3 = arith.constant 0 : index
    %get3A_4 = vector.load %arg1[%get3A_2, %get3A_3] : memref<10000x16xf32, #tpu.memory_space<vmem>>, vector<10000x1xf32>
    %add3A = arith.addf %get3A_1, %get3A_4 : vector<10000x1xf32>
    %add3A_5 = arith.constant 1.000000e+00 : f32
    %add3A_6 = vector.broadcast %add3A_5 : f32 to vector<10000x1xf32>
    %add3A_7 = arith.addf %add3A, %add3A_6 : vector<10000x1xf32>
    %rsqrt3A = math.rsqrt %add3A_7 : vector<10000x1xf32>
    %get3A_8 = arith.constant 0 : index
    %get3A_9 = arith.constant 0 : index
    %get3A_10 = vector.load %arg2[%get3A_8, %get3A_9] : memref<10000x128xf32, #tpu.memory_space<vmem>>, vector<10000x128xf32>
    %get3A_11 = arith.constant 0 : index
    %get3A_12 = arith.constant 0 : index
    %get3A_13 = vector.load %arg3[%get3A_11, %get3A_12] : memref<10000x1xf32, #tpu.memory_space<vmem>>, vector<10000x1xf32>
    %mul3A = vector.broadcast %get3A_13 : vector<10000x1xf32> to vector<10000x128xf32>
    %mul3A_14 = arith.mulf %get3A_10, %mul3A : vector<10000x128xf32>
    %get3A_15 = arith.constant 0 : index
    %get3A_16 = arith.constant 0 : index
    %get3A_17 = vector.load %arg4[%get3A_15, %get3A_16] : memref<128x128xf32, #tpu.memory_space<vmem>>, vector<128x128xf32>
    %dot_general3A = arith.constant dense<0.000000e+00> : vector<10000x128xf32>
    %dot_general3A_18 = tpu.matmul %mul3A_14, %get3A_17, %dot_general3A {dimension_numbers = #tpu.dot_dimension_numbers<[1], [0], [0], [1], [0, 0, 1, 1], [], []>, transpose_lhs_hint = false} : vector<10000x128xf32>, vector<128x128xf32>, vector<10000x128xf32> -> vector<10000x128xf32>
    %mul3A_19 = vector.broadcast %rsqrt3A : vector<10000x1xf32> to vector<10000x128xf32>
    %mul3A_20 = arith.mulf %dot_general3A_18, %mul3A_19 : vector<10000x128xf32>
    %swap3A = arith.constant 0 : index
    %swap3A_21 = arith.constant 0 : index
    %swap3A_22 = vector.load %arg5[%swap3A, %swap3A_21] : memref<10000x128xf32, #tpu.memory_space<vmem>>, vector<10000x128xf32>
    tpu.vector_store %arg5[%swap3A, %swap3A_21], %mul3A_20 {strides = array<i32>} : memref<10000x128xf32, #tpu.memory_space<vmem>>, vector<10000x128xf32>,
    return
  }
}

module attributes {stable_mosaic.version = 14 : i64} {
  func.func @body(%arg0: memref<10000x16xf32, #tpu.memory_space<vmem>>, %arg1: memref<10000x16xf32, #tpu.memory_space<vmem>>, %arg2: memref<10000x128xf32, #tpu.memory_space<vmem>>, %arg3: memref<10000x128xf32, #tpu.memory_space<vmem>>, %arg4: memref<10000x128xf32, #tpu.memory_space<vmem>>, %arg5: memref<1x128xf32, #tpu.memory_space<vmem>>, %arg6: memref<1x128xf32, #tpu.memory_space<vmem>>, %arg7: memref<1x128xf32, #tpu.memory_space<vmem>>, %arg8: memref<10000x1xf32, #tpu.memory_space<vmem>>, %arg9: memref<128x128xf32, #tpu.memory_space<vmem>>, %arg10: memref<10000x128xf32, #tpu.memory_space<vmem>>) attributes {dimension_semantics = [], scalar_prefetch = 0 : i64, scratch_operands = 0 : i64, tpu.core_type = #tpu.core_type<tc>} {
    %get3A = arith.constant 0 : index
    %get3A_0 = arith.constant 0 : index
    %get3A_1 = vector.load %arg0[%get3A, %get3A_0] : memref<10000x16xf32, #tpu.memory_space<vmem>>, vector<10000x1xf32>
    %get3A_2 = arith.constant 0 : index
    %get3A_3 = arith.constant 0 : index
    %get3A_4 = vector.load %arg1[%get3A_2, %get3A_3] : memref<10000x16xf32, #tpu.memory_space<vmem>>, vector<10000x1xf32>
    %add3A = arith.addf %get3A_1, %get3A_4 : vector<10000x1xf32>
    %add3A_5 = arith.constant 1.000000e+00 : f32
    %add3A_6 = vector.broadcast %add3A_5 : f32 to vector<10000x1xf32>
    %add3A_7 = arith.addf %add3A, %add3A_6 : vector<10000x1xf32>
    %rsqrt3A = math.rsqrt %add3A_7 : vector<10000x1xf32>
    %get3A_8 = arith.constant 0 : index
    %get3A_9 = arith.constant 0 : index
    %get3A_10 = vector.load %arg2[%get3A_8, %get3A_9] : memref<10000x128xf32, #tpu.memory_space<vmem>>, vector<10000x128xf32>
    %get3A_11 = arith.constant 0 : index
    %get3A_12 = arith.constant 0 : index
    %get3A_13 = vector.load %arg3[%get3A_11, %get3A_12] : memref<10000x128xf32, #tpu.memory_space<vmem>>, vector<10000x128xf32>
    %add3A_14 = arith.addf %get3A_10, %get3A_13 : vector<10000x128xf32>
    %get3A_15 = arith.constant 0 : index
    %get3A_16 = arith.constant 0 : index
    %get3A_17 = vector.load %arg4[%get3A_15, %get3A_16] : memref<10000x128xf32, #tpu.memory_space<vmem>>, vector<10000x128xf32>
    %add3A_18 = arith.addf %add3A_14, %get3A_17 : vector<10000x128xf32>
    %mul3A = vector.broadcast %rsqrt3A : vector<10000x1xf32> to vector<10000x128xf32>
    %mul3A_19 = arith.mulf %mul3A, %add3A_18 : vector<10000x128xf32>
    %get3A_20 = arith.constant 0 : index
    %get3A_21 = arith.constant 0 : index
    %get3A_22 = vector.load %arg5[%get3A_20, %get3A_21] : memref<1x128xf32, #tpu.memory_space<vmem>>, vector<1x128xf32>
    %add3A_23 = vector.broadcast %get3A_22 : vector<1x128xf32> to vector<10000x128xf32>
    %add3A_24 = arith.addf %mul3A_19, %add3A_23 : vector<10000x128xf32>
    %get3A_25 = arith.constant 0 : index
    %get3A_26 = arith.constant 0 : index
    %get3A_27 = vector.load %arg6[%get3A_25, %get3A_26] : memref<1x128xf32, #tpu.memory_space<vmem>>, vector<1x128xf32>
    %get3A_28 = arith.constant 0 : index
    %get3A_29 = arith.constant 0 : index
    %get3A_30 = vector.load %arg7[%get3A_28, %get3A_29] : memref<1x128xf32, #tpu.memory_space<vmem>>, vector<1x128xf32>
    %get3A_31 = arith.constant 0 : index
    %get3A_32 = arith.constant 0 : index
    %get3A_33 = vector.load %arg8[%get3A_31, %get3A_32] : memref<10000x1xf32, #tpu.memory_space<vmem>>, vector<10000x1xf32>
    %reduce_sum3A = arith.constant dense<0.000000e+00> : vector<128xf32>
    %reduce_sum3A_34 = vector.multi_reduction <add>, %add3A_24, %reduce_sum3A [0] : vector<10000x128xf32> to vector<128xf32>
    %broadcast_in_dim3A = vector.shape_cast %reduce_sum3A_34 : vector<128xf32> to vector<1x128xf32>
    %div3A = arith.constant 1.000000e+04 : f32
    %div3A_35 = vector.broadcast %div3A : f32 to vector<1x128xf32>
    %div3A_36 = arith.divf %broadcast_in_dim3A, %div3A_35 : vector<1x128xf32>
    %sub3A = vector.broadcast %div3A_36 : vector<1x128xf32> to vector<10000x128xf32>
    %sub3A_37 = arith.subf %add3A_24, %sub3A : vector<10000x128xf32>
    %integer_pow3A = arith.mulf %sub3A_37, %sub3A_37 : vector<10000x128xf32>
    %reduce_sum3A_38 = arith.constant dense<0.000000e+00> : vector<128xf32>
    %reduce_sum3A_39 = vector.multi_reduction <add>, %integer_pow3A, %reduce_sum3A_38 [0] : vector<10000x128xf32> to vector<128xf32>
    %broadcast_in_dim3A_40 = vector.shape_cast %reduce_sum3A_39 : vector<128xf32> to vector<1x128xf32>
    %div3A_41 = arith.constant 1.000000e+04 : f32
    %div3A_42 = vector.broadcast %div3A_41 : f32 to vector<1x128xf32>
    %div3A_43 = arith.divf %broadcast_in_dim3A_40, %div3A_42 : vector<1x128xf32>
    %sub3A_44 = vector.broadcast %div3A_36 : vector<1x128xf32> to vector<10000x128xf32>
    %sub3A_45 = arith.subf %add3A_24, %sub3A_44 : vector<10000x128xf32>
    %add3A_46 = arith.constant 9.99999974E-6 : f32
    %add3A_47 = vector.broadcast %add3A_46 : f32 to vector<1x128xf32>
    %add3A_48 = arith.addf %div3A_43, %add3A_47 : vector<1x128xf32>
    %rsqrt3A_49 = math.rsqrt %add3A_48 : vector<1x128xf32>
    %mul3A_50 = vector.broadcast %rsqrt3A_49 : vector<1x128xf32> to vector<10000x128xf32>
    %mul3A_51 = arith.mulf %sub3A_45, %mul3A_50 : vector<10000x128xf32>
    %mul3A_52 = vector.broadcast %get3A_27 : vector<1x128xf32> to vector<10000x128xf32>
    %mul3A_53 = arith.mulf %mul3A_51, %mul3A_52 : vector<10000x128xf32>
    %add3A_54 = vector.broadcast %get3A_30 : vector<1x128xf32> to vector<10000x128xf32>
    %add3A_55 = arith.addf %mul3A_53, %add3A_54 : vector<10000x128xf32>
    %max3A = arith.constant 0.000000e+00 : f32
    %max3A_56 = vector.broadcast %max3A : f32 to vector<10000x128xf32>
    %max3A_57 = arith.maximumf %add3A_55, %max3A_56 : vector<10000x128xf32>
    %mul3A_58 = vector.broadcast %get3A_33 : vector<10000x1xf32> to vector<10000x128xf32>
    %mul3A_59 = arith.mulf %max3A_57, %mul3A_58 : vector<10000x128xf32>
    %get3A_60 = arith.constant 0 : index
    %get3A_61 = arith.constant 0 : index
    %get3A_62 = vector.load %arg9[%get3A_60, %get3A_61] : memref<128x128xf32, #tpu.memory_space<vmem>>, vector<128x128xf32>
    %dot_general3A = arith.constant dense<0.000000e+00> : vector<10000x128xf32>
    %dot_general3A_63 = tpu.matmul %mul3A_59, %get3A_62, %dot_general3A {dimension_numbers = #tpu.dot_dimension_numbers<[1], [0], [0], [1], [0, 0, 1, 1], [], []>, transpose_lhs_hint = false} : vector<10000x128xf32>, vector<128x128xf32>, vector<10000x128xf32> -> vector<10000x128xf32>
    %mul3A_64 = vector.broadcast %rsqrt3A : vector<10000x1xf32> to vector<10000x128xf32>
    %mul3A_65 = arith.mulf %dot_general3A_63, %mul3A_64 : vector<10000x128xf32>
    %swap3A = arith.constant 0 : index
    %swap3A_66 = arith.constant 0 : index
    %swap3A_67 = vector.load %arg10[%swap3A, %swap3A_66] : memref<10000x128xf32, #tpu.memory_space<vmem>>, vector<10000x128xf32>
    tpu.vector_store %arg10[%swap3A, %swap3A_66], %mul3A_65 {strides = array<i32>} : memref<10000x128xf32, #tpu.memory_space<vmem>>, vector<10000x128xf32>,
    return
  }
}

module attributes {stable_mosaic.version = 14 : i64} {
  func.func @body(%arg0: memref<10000x16xf32, #tpu.memory_space<vmem>>, %arg1: memref<10000x16xf32, #tpu.memory_space<vmem>>, %arg2: memref<10000x128xf32, #tpu.memory_space<vmem>>, %arg3: memref<10000x128xf32, #tpu.memory_space<vmem>>, %arg4: memref<10000x128xf32, #tpu.memory_space<vmem>>, %arg5: memref<1x128xf32, #tpu.memory_space<vmem>>, %arg6: memref<1x128xf32, #tpu.memory_space<vmem>>, %arg7: memref<1x128xf32, #tpu.memory_space<vmem>>, %arg8: memref<10000x1xf32, #tpu.memory_space<vmem>>, %arg9: memref<10000x1xi32, #tpu.memory_space<vmem>>, %arg10: memref<128x1xf32, #tpu.memory_space<vmem>>, %arg11: memref<1x1xf32, #tpu.memory_space<vmem>>, %arg12: memref<16x1xf32, #tpu.memory_space<vmem>>) attributes {dimension_semantics = [], scalar_prefetch = 0 : i64, scratch_operands = 0 : i64, tpu.core_type = #tpu.core_type<tc>} {
    %get3A = arith.constant 0 : index
    %get3A_0 = arith.constant 0 : index
    %get3A_1 = vector.load %arg0[%get3A, %get3A_0] : memref<10000x16xf32, #tpu.memory_space<vmem>>, vector<10000x1xf32>
    %get3A_2 = arith.constant 0 : index
    %get3A_3 = arith.constant 0 : index
    %get3A_4 = vector.load %arg1[%get3A_2, %get3A_3] : memref<10000x16xf32, #tpu.memory_space<vmem>>, vector<10000x1xf32>
    %add3A = arith.addf %get3A_1, %get3A_4 : vector<10000x1xf32>
    %add3A_5 = arith.constant 1.000000e+00 : f32
    %add3A_6 = vector.broadcast %add3A_5 : f32 to vector<10000x1xf32>
    %add3A_7 = arith.addf %add3A, %add3A_6 : vector<10000x1xf32>
    %rsqrt3A = math.rsqrt %add3A_7 : vector<10000x1xf32>
    %get3A_8 = arith.constant 0 : index
    %get3A_9 = arith.constant 0 : index
    %get3A_10 = vector.load %arg2[%get3A_8, %get3A_9] : memref<10000x128xf32, #tpu.memory_space<vmem>>, vector<10000x128xf32>
    %get3A_11 = arith.constant 0 : index
    %get3A_12 = arith.constant 0 : index
    %get3A_13 = vector.load %arg3[%get3A_11, %get3A_12] : memref<10000x128xf32, #tpu.memory_space<vmem>>, vector<10000x128xf32>
    %add3A_14 = arith.addf %get3A_10, %get3A_13 : vector<10000x128xf32>
    %get3A_15 = arith.constant 0 : index
    %get3A_16 = arith.constant 0 : index
    %get3A_17 = vector.load %arg4[%get3A_15, %get3A_16] : memref<10000x128xf32, #tpu.memory_space<vmem>>, vector<10000x128xf32>
    %add3A_18 = arith.addf %add3A_14, %get3A_17 : vector<10000x128xf32>
    %mul3A = vector.broadcast %rsqrt3A : vector<10000x1xf32> to vector<10000x128xf32>
    %mul3A_19 = arith.mulf %mul3A, %add3A_18 : vector<10000x128xf32>
    %get3A_20 = arith.constant 0 : index
    %get3A_21 = arith.constant 0 : index
    %get3A_22 = vector.load %arg5[%get3A_20, %get3A_21] : memref<1x128xf32, #tpu.memory_space<vmem>>, vector<1x128xf32>
    %add3A_23 = vector.broadcast %get3A_22 : vector<1x128xf32> to vector<10000x128xf32>
    %add3A_24 = arith.addf %mul3A_19, %add3A_23 : vector<10000x128xf32>
    %get3A_25 = arith.constant 0 : index
    %get3A_26 = arith.constant 0 : index
    %get3A_27 = vector.load %arg6[%get3A_25, %get3A_26] : memref<1x128xf32, #tpu.memory_space<vmem>>, vector<1x128xf32>
    %get3A_28 = arith.constant 0 : index
    %get3A_29 = arith.constant 0 : index
    %get3A_30 = vector.load %arg7[%get3A_28, %get3A_29] : memref<1x128xf32, #tpu.memory_space<vmem>>, vector<1x128xf32>
    %get3A_31 = arith.constant 0 : index
    %get3A_32 = arith.constant 0 : index
    %get3A_33 = vector.load %arg8[%get3A_31, %get3A_32] : memref<10000x1xf32, #tpu.memory_space<vmem>>, vector<10000x1xf32>
    %reduce_sum3A = arith.constant dense<0.000000e+00> : vector<128xf32>
    %reduce_sum3A_34 = vector.multi_reduction <add>, %add3A_24, %reduce_sum3A [0] : vector<10000x128xf32> to vector<128xf32>
    %broadcast_in_dim3A = vector.shape_cast %reduce_sum3A_34 : vector<128xf32> to vector<1x128xf32>
    %div3A = arith.constant 1.000000e+04 : f32
    %div3A_35 = vector.broadcast %div3A : f32 to vector<1x128xf32>
    %div3A_36 = arith.divf %broadcast_in_dim3A, %div3A_35 : vector<1x128xf32>
    %sub3A = vector.broadcast %div3A_36 : vector<1x128xf32> to vector<10000x128xf32>
    %sub3A_37 = arith.subf %add3A_24, %sub3A : vector<10000x128xf32>
    %integer_pow3A = arith.mulf %sub3A_37, %sub3A_37 : vector<10000x128xf32>
    %reduce_sum3A_38 = arith.constant dense<0.000000e+00> : vector<128xf32>
    %reduce_sum3A_39 = vector.multi_reduction <add>, %integer_pow3A, %reduce_sum3A_38 [0] : vector<10000x128xf32> to vector<128xf32>
    %broadcast_in_dim3A_40 = vector.shape_cast %reduce_sum3A_39 : vector<128xf32> to vector<1x128xf32>
    %div3A_41 = arith.constant 1.000000e+04 : f32
    %div3A_42 = vector.broadcast %div3A_41 : f32 to vector<1x128xf32>
    %div3A_43 = arith.divf %broadcast_in_dim3A_40, %div3A_42 : vector<1x128xf32>
    %sub3A_44 = vector.broadcast %div3A_36 : vector<1x128xf32> to vector<10000x128xf32>
    %sub3A_45 = arith.subf %add3A_24, %sub3A_44 : vector<10000x128xf32>
    %add3A_46 = arith.constant 9.99999974E-6 : f32
    %add3A_47 = vector.broadcast %add3A_46 : f32 to vector<1x128xf32>
    %add3A_48 = arith.addf %div3A_43, %add3A_47 : vector<1x128xf32>
    %rsqrt3A_49 = math.rsqrt %add3A_48 : vector<1x128xf32>
    %mul3A_50 = vector.broadcast %rsqrt3A_49 : vector<1x128xf32> to vector<10000x128xf32>
    %mul3A_51 = arith.mulf %sub3A_45, %mul3A_50 : vector<10000x128xf32>
    %mul3A_52 = vector.broadcast %get3A_27 : vector<1x128xf32> to vector<10000x128xf32>
    %mul3A_53 = arith.mulf %mul3A_51, %mul3A_52 : vector<10000x128xf32>
    %add3A_54 = vector.broadcast %get3A_30 : vector<1x128xf32> to vector<10000x128xf32>
    %add3A_55 = arith.addf %mul3A_53, %add3A_54 : vector<10000x128xf32>
    %max3A = arith.constant 0.000000e+00 : f32
    %max3A_56 = vector.broadcast %max3A : f32 to vector<10000x128xf32>
    %max3A_57 = arith.maximumf %add3A_55, %max3A_56 : vector<10000x128xf32>
    %mul3A_58 = vector.broadcast %get3A_33 : vector<10000x1xf32> to vector<10000x128xf32>
    %mul3A_59 = arith.mulf %max3A_57, %mul3A_58 : vector<10000x128xf32>
    %get3A_60 = arith.constant 0 : index
    %get3A_61 = arith.constant 0 : index
    %get3A_62 = vector.load %arg9[%get3A_60, %get3A_61] : memref<10000x1xi32, #tpu.memory_space<vmem>>, vector<10000x1xi32>
    %iota3A = tpu.iota {dimensions = array<i32: 1>} : vector<10000x16xi32>
    %eq3A = vector.broadcast %get3A_62 : vector<10000x1xi32> to vector<10000x16xi32>
    %eq3A_63 = arith.cmpi eq, %eq3A, %iota3A : vector<10000x16xi32>
    %convert_element_type3A = arith.extui %eq3A_63 : vector<10000x16xi1> to vector<10000x16xi32>
    %convert_element_type3A_64 = arith.sitofp %convert_element_type3A : vector<10000x16xi32> to vector<10000x16xf32>
    %dot_general3A = arith.constant dense<0.000000e+00> : vector<16x128xf32>
    %dot_general3A_65 = tpu.matmul %convert_element_type3A_64, %mul3A_59, %dot_general3A {dimension_numbers = #tpu.dot_dimension_numbers<[0], [0], [1], [1], [0, 1, 1, 1], [], []>, transpose_lhs_hint = false} : vector<10000x16xf32>, vector<10000x128xf32>, vector<16x128xf32> -> vector<16x128xf32>
    %broadcast_in_dim3A_66 = arith.constant 1.000000e+00 : f32
    %broadcast_in_dim3A_67 = vector.broadcast %broadcast_in_dim3A_66 : f32 to vector<10000x1xf32>
    %dot_general3A_68 = arith.constant dense<0.000000e+00> : vector<16x1xf32>
    %dot_general3A_69 = tpu.matmul %convert_element_type3A_64, %broadcast_in_dim3A_67, %dot_general3A_68 {dimension_numbers = #tpu.dot_dimension_numbers<[0], [0], [1], [1], [0, 1, 1, 1], [], []>, transpose_lhs_hint = false} : vector<10000x16xf32>, vector<10000x1xf32>, vector<16x1xf32> -> vector<16x1xf32>
    %get3A_70 = arith.constant 0 : index
    %get3A_71 = arith.constant 0 : index
    %get3A_72 = vector.load %arg10[%get3A_70, %get3A_71] : memref<128x1xf32, #tpu.memory_space<vmem>>, vector<128x1xf32>
    %dot_general3A_73 = arith.constant dense<0.000000e+00> : vector<16x1xf32>
    %dot_general3A_74 = tpu.matmul %dot_general3A_65, %get3A_72, %dot_general3A_73 {dimension_numbers = #tpu.dot_dimension_numbers<[1], [0], [0], [1], [0, 0, 1, 1], [], []>, transpose_lhs_hint = false} : vector<16x128xf32>, vector<128x1xf32>, vector<16x1xf32> -> vector<16x1xf32>
    %max3A_75 = arith.constant 1.000000e+00 : f32
    %max3A_76 = vector.broadcast %max3A_75 : f32 to vector<16x1xf32>
    %max3A_77 = arith.maximumf %dot_general3A_69, %max3A_76 : vector<16x1xf32>
    %div3A_78 = arith.divf %dot_general3A_74, %max3A_77 : vector<16x1xf32>
    %get3A_79 = arith.constant 0 : index
    %get3A_80 = arith.constant 0 : index
    %get3A_81 = vector.load %arg11[%get3A_79, %get3A_80] : memref<1x1xf32, #tpu.memory_space<vmem>>, vector<1x1xf32>
    %add3A_82 = vector.broadcast %get3A_81 : vector<1x1xf32> to vector<16x1xf32>
    %add3A_83 = arith.addf %div3A_78, %add3A_82 : vector<16x1xf32>
    %swap3A = arith.constant 0 : index
    %swap3A_84 = arith.constant 0 : index
    %swap3A_85 = vector.load %arg12[%swap3A, %swap3A_84] : memref<16x1xf32, #tpu.memory_space<vmem>>, vector<16x1xf32>
    tpu.vector_store %arg12[%swap3A, %swap3A_84], %add3A_83 {strides = array<i32>} : memref<16x1xf32, #tpu.memory_space<vmem>>, vector<16x1xf32>,
    return
  }
}

</mosaic_0001>

<sc_bundles>
// kernel: kernel.10.cloned.1.call-start
scs
__scs_entry_jumppad:
0x0: {  	(pc) =	sbr.rel $0x88, $3  }
0x1: {  	(tag) =	ssettag $0x0;
	lr =	simm.s32 $0x1  }
0x2: {  	[smem:$0x3F8F] =	sst lr;
	_ =	strace $0xD0000000  }
0x3: {  	_ = 	snop  }
0x4: {  	_ = 	snop  }
0x5: {  	_ = 	snop  }
0x6: {  	_ = 	snop  }
0x7: {  	_ = 	snop  }
__scs_overlays_trampoline_lowered:
0x8: {  	[smem:$0x3F9E] =	sst s0  }
0x9: {  	[smem:$0x3F9F] =	sst s1  }
0xa: {  	[smem:$0x3FA0] =	sst s2  }
0xb: {  	[smem:$0x3FA1] =	sst s3  }
0xc: {  	[smem:$0x3FA2] =	sst s4  }
0xd: {  	[smem:$0x3FA3] =	sst s5  }
0xe: {  	[smem:$0x3FA4] =	sst s6  }
0xf: {  	[smem:$0x3FA5] =	sst s7  }
0x10: {  	[smem:$0x3FA6] =	sst s8  }
0x11: {  	[smem:$0x3FA7] =	sst s9;
	s0 =	simm.s32 @!p0 $0x0  }
0x12: {  	s1 =	sld [smem:$0x3F8D];
	s0 =	simm.s32 @p0 $0x1  }
0x13: {  	[smem:$0x3FA8] =	sst s0;
	s0 =	simm.s32 @!p1 $0x0  }
0x14: {  	s2 =	sld [smem:$0x3F8C];
	s0 =	simm.s32 @p1 $0x1  }
0x15: {  	[smem:$0x3FA9] =	sst s0;
	s0 =	simm.s32 @!p2 $0x0  }
0x16: {  	s3 =	sld [smem:$0x3FDB];
	s0 =	simm.s32 @p2 $0x1  }
0x17: {  	s4 =	simm.s32 $0x1BF5;
	[smem:$0x3FAB] =	sst s0  }
0x18: {  	s0 =	sld [smem:$0x3F8E];
	_ =	swait.ge [sflag:s4], $0x0  }
0x19: {  	s7 =	sld [smem:$0x3F8F]  }
0x1a: {  	s8 =	sadd.s32 $0xFFFFE003, lr  }
0x1b: {  	s9 =	sadd.s32 $0xFFFFFEF7, lr;
	s5 =	simm.s32 $0xFFFFFFFF;
	p2 =	slt.u32 s8, $0xFFFFF086  }
0x1c: {  	p1 =	slt.u32 s9, $0xF7A;
	s5 =	simm.s32 @!p2 $0x0  }
0x1d: {  	s5 =	simm.s32 @p1 $0x1;
	p0 =	seq.s32 s7, s2  }
0x1e: {  	s7 =	smul.u32 @!p0 $0xF7A, s2;
	p2 =	seq.s32 @!p0 s5, $0x0  }
0x1f: {  	s9 =	smul.u32 $0xF7A, s1;
	s8 =	simm.s32 @!p0 $0x1BF5;
	p2 =	por !p2, p0  }
0x20: {  	[sflag:s8] =	ssyncset.s32 @!p0 $0xFFFFF086;
	s6 =	sadd.s32 @!p0 s3, s7;
	s7 =	simm.s32 @!p0 $0x108  }
0x21: {  	s3 =	sadd.s32 s3, s9;
	s6 =	sadd.s32 @!p0 $0x88, s6;
	s7 =	simm.s32 @p2 $0x1082  }
0x22: {  	[simem:s7], [sflag:s8] =	dma.local @!p0 [hbm:s6], $0xF7A  }
0x23: {  	s9 =	sor.u32 $0xD0000000, s2;
	s6 =	simm.s32 $0x108;
	_ =	swait.ge @!p0 [sflag:s8], $0x0  }
0x24: {  	s3 =	sadd.s32 $0x88, s3;
	s6 =	simm.s32 @!p1 $0x1082;
	[sflag:s4] =	ssyncset.s32 $0xFFFFF086  }
0x25: {  	[simem:s6], [sflag:s4] =	dma.local [hbm:s3], $0xF7A  }
0x26: {  	[smem:$0x3F8F] =	sst s1;
	(tag) =	ssettag s2;
	_ =	strace s9  }
0x27: {  	s1 =	sld [smem:$0x3F9F]  }
0x28: {  	s2 =	sld [smem:$0x3FA0]  }
0x29: {  	s4 =	sld [smem:$0x3FA2]  }
0x2a: {  	p0 =	seq.s32 s5, $0x0;
	s5 =	sld [smem:$0x3FA3]  }
0x2b: {  	s6 =	sld [smem:$0x3FA4]  }
0x2c: {  	s7 =	sld [smem:$0x3FA5]  }
0x2d: {  	s3 =	simm.s32 $0x108;
	s8 =	sld [smem:$0x3FA6]  }
0x2e: {  	s3 =	simm.s32 @!p0 $0x1082;
	s9 =	sld [smem:$0x3FA7]  }
0x2f: {  	lr =	sadd.s32 s0, s3;
	s0 =	sld [smem:$0x3F9E]  }
0x30: {  	s3 =	sld [smem:$0x3FA1]  }
0x31: {  	[smem:$0x3FAA] =	sst s10  }
0x32: {  	s10 =	sld [smem:$0x3FA8];
	_ =	sdelay $0x3  }
0x33: {  	p0 =	seq.s32 s10, $0x1;
	s10 =	sld [smem:$0x3FAA];
	_ =	sdelay $0x3  }
0x34: {  	[smem:$0x3FAA] =	sst s10  }
0x35: {  	s10 =	sld [smem:$0x3FA9];
	_ =	sdelay $0x3  }
0x36: {  	p1 =	seq.s32 s10, $0x1;
	s10 =	sld [smem:$0x3FAA];
	_ =	sdelay $0x3  }
0x37: {  	[smem:$0x3FAA] =	sst s10  }
0x38: {  	s10 =	sld [smem:$0x3FAB]  }
0x39: {  	_ = 	snop;
	(pc) =	sbr.ind lr, $3  }
0x3a: {  	_ = 	snop  }
0x3b: {  	_ = 	snop  }
0x3c: {  	p2 =	seq.s32 s10, $0x1;
	s10 =	sld [smem:$0x3FAA]  }
0x3d: {  	_ =	shalt  }
0x3e: {  	_ =	shalt  }
0x3f: {  	_ =	shalt  }
0x40: {  	_ =	shalt  }
0x41: {  	_ =	shalt  }
0x42: {  	_ =	shalt  }
0x43: {  	_ =	shalt  }
0x44: {  	_ =	shalt  }
0x45: {  	_ =	shalt  }
0x46: {  	_ =	shalt  }
0x47: {  	_ =	shalt  }
0x48: {  	_ =	shalt  }
0x49: {  	_ =	shalt  }
0x4a: {  	_ =	shalt  }
0x4b: {  	_ =	shalt  }
0x4c: {  	_ =	shalt  }
0x4d: {  	_ =	shalt  }
0x4e: {  	_ =	shalt  }
0x4f: {  	_ =	shalt  }
0x50: {  	_ =	shalt  }
0x51: {  	_ =	shalt  }
0x52: {  	_ =	shalt  }
0x53: {  	_ =	shalt  }
0x54: {  	_ =	shalt  }
0x55: {  	_ =	shalt  }
0x56: {  	_ =	shalt  }
0x57: {  	_ =	shalt  }
0x58: {  	_ =	shalt  }
0x59: {  	_ =	shalt  }
0x5a: {  	_ =	shalt  }
0x5b: {  	_ =	shalt  }
0x5c: {  	_ =	shalt  }
0x5d: {  	_ =	shalt  }
0x5e: {  	_ =	shalt  }
0x5f: {  	_ =	shalt  }
0x60: {  	_ =	shalt  }
0x61: {  	_ =	shalt  }
0x62: {  	_ =	shalt  }
0x63: {  	_ =	shalt  }
0x64: {  	_ =	shalt  }
0x65: {  	_ =	shalt  }
0x66: {  	_ =	shalt  }
0x67: {  	_ =	shalt  }
0x68: {  	_ =	shalt  }
0x69: {  	_ =	shalt  }
0x6a: {  	_ =	shalt  }
0x6b: {  	_ =	shalt  }
0x6c: {  	_ =	shalt  }
0x6d: {  	_ =	shalt  }
0x6e: {  	_ =	shalt  }
0x6f: {  	_ =	shalt  }
0x70: {  	_ =	shalt  }
0x71: {  	_ =	shalt  }
0x72: {  	_ =	shalt  }
0x73: {  	_ =	shalt  }
0x74: {  	_ =	shalt  }
0x75: {  	_ =	shalt  }
0x76: {  	_ =	shalt  }
0x77: {  	_ =	shalt  }
0x78: {  	_ =	shalt  }
0x79: {  	_ =	shalt  }
0x7a: {  	_ =	shalt  }
0x7b: {  	_ =	shalt  }
0x7c: {  	_ =	shalt  }
0x7d: {  	_ =	shalt  }
0x7e: {  	_ =	shalt  }
0x7f: {  	_ =	shalt  }
0x80: {  	_ =	shalt  }
0x81: {  	_ =	shalt  }
0x82: {  	_ =	shalt  }
0x83: {  	_ =	shalt  }
0x84: {  	_ =	shalt  }
0x85: {  	_ =	shalt  }
0x86: {  	_ =	shalt  }
0x87: {  	_ =	shalt  }
.Lfunc_end0:
.L_simem_size_0:
called_computation_lowered:
.L_overlay_start_0:
0x88: {  	s2 =	sld [smem:$0x3FD9]  }
0x89: {  	s3 =	sld [smem:$0x3FFE];
	_ =	sdelay $0x1  }
0x8a: {  	s1 =	srdreg.scid  }
0x8b: {  	s0 =	sand.u32 $0x1, s1  }
0x8c: {  	s16 =	sshll.u32 s0, $0xA;
	s2 =	sadd.s32 s3, s2  }
0x8d: {  	s2 =	sadd.s32 s2, s16  }
0x8e: {  	[smem:$0x3FB6] =	sst s2  }
0x8f: {  	_ = 	snop  }
0x90: {  	(tm) =	ssettm $0x1  }
0x91: {  	s17 =	sld [smem:$0x3FFB];
	_ =	sdelay $0x3  }
0x92: {  	_ =	strace s17  }
0x93: {  	s2 =	sld [smem:$0x3FFC];
	_ =	sdelay $0x3  }
0x94: {  	_ =	strace s2  }
0x95: {  	s2 =	sld [smem:$0x3FFD];
	_ =	sdelay $0x3  }
0x96: {  	_ =	strace s2  }
0x97: {  	_ =	strace $0x8FFFFFFF  }
0x98: {  	s18 =	sld [smem:$0x3FDB];
	_ =	sdelay $0x1  }
0x99: {  	s19 =	simm.s32 $_scs_section_size  }
0x9a: {  	s4 =	simm.s32 $_size__tile_overlayer_lowered;
	s5 =	simm.s32 $_tile_overlayer_lowered  }
0x9b: {  	s22 =	simm.s32 $0x1BFF;
	s21 =	sshll.u32 s5, $0x1;
	s2 =	sadd.s32 s19, s18  }
0x9c: {  	s6 =	simm.s32 $0x0;
	s20 =	sshll.u32 s4, $0x1;
	s4 =	sadd.s32 s21, s2  }
0x9d: {  	[timem:s6], [sflag:s22] =	dma.local [hbm:s4], s20  }
0x9e: {  	_ =	swait.ge [sflag:s22], s20  }
0x9f: {  	s3 =	ssub.s32 $0x0, s20;
	[sflag:s22] =	ssyncset.done $0x0  }
0xa0: {  	[sflag:s22] =	ssyncadd.s32 s3;
	_ =	sdelay $0x1  }
0xa1: {  	s23 =	simm.s32 $0x1B8B  }
0xa2: {  	_ =	swait.ge [sflag:s23], $0x1  }
0xa3: {  	[sflag:s23] =	ssyncset.done $0x0  }
0xa4: {  	s25 =	simm.s32 $0x1B8E;
	s24 =	sld [smem:$0x3FFE];
	[sflag:s23] =	ssyncadd.s32 $0xFFFFFFFF  }
0xa5: {  	s26 =	simm.s32 $execute0_lowered;
	[smem:$0x3FD2] =	sst s25  }
0xa6: {  	s4 =	sshll.u32 s26, $0x1;
	_ =	strace $0x80000046;
	[dreg:$0x1] =	wrdreg $0xFFFFFFFF  }
0xa7: {  	s28 =	simm.s32 $_size_execute0_lowered;
	s2 =	sadd.s32 s2, s4;
	[dreg:$0x0] =	wrdreg $0x0  }
0xa8: {  	s4 =	sshll.u32 s28, $0x1;
	[dreg:$0x2] =	wrdreg s2  }
0xa9: {  	[dreg:$0x3] =	wrdreg s4  }
0xaa: {  	[dreg:$0x4] =	wrdreg $0xC0  }
0xab: {  	_ =	task [dreg:s6], $0x5FFFF  }
0xac: {  	[dreg:$0x1] =	wrdreg $0xFFFFFFFF  }
0xad: {  	[dreg:$0x0] =	wrdreg $0x60  }
0xae: {  	[dreg:$0x2] =	wrdreg s24  }
0xaf: {  	[dreg:$0x3] =	wrdreg $0x28800  }
0xb0: {  	[dreg:$0x4] =	wrdreg $0x9  }
0xb1: {  	_ =	task.clear_ibuf [dreg:s6], $0x5FFFF;
	_ =	strace $0x90000046  }
0xb2: {  	s29 =	simm.s32 $0x9;
	_ =	strace $0x80000048  }
0xb3: {  	_ =	swait.ge [sflag:s29], $0x1  }
0xb4: {  	[sflag:s29] =	ssyncadd.s32 $0xFFFFFFFF  }
0xb5: {  	_ =	strace $0x90000048  }
0xb6: {  	_ =	sfence  }
0xb7: {  	s30 =	sld [smem:$0x0];
	_ =	sdelay $0x2  }
0xb8: {  	s31 =	sshll.u32 s1, $0xD;
	s1 =	sshrl.u32 s1, $0x2  }
0xb9: {  	s3 =	sand.u32 $0x4000, s31;
	s1 =	sadd.s32 s1, s30  }
0xba: {  	s0 =	sor.u32 s3, s0;
	s1 =	sshll.u32 s1, $0x11  }
0xbb: {  	s0 =	sor.u32 s1, s0  }
0xbc: {  	s0 =	sadd.s32 $0x8F2B, s0  }
0xbd: {  	[sflag:s0] =	ssyncadd.remote.s32 $0x1  }
0xbe: {  	_ =	sfence.sel $0xFFFF  }
0xbf: {  	[dreg:$0x0] =	wrdreg $0xFFFFFFFF;
	(pc) =	sbr.abs _section_cstart, $3  }
0xc0: {  	[dreg:$0x1] =	wrdreg $0xFFFFFFFF  }
0xc1: {  	_ =	task.clear_ibuf [dreg:s6], $0x2FFFF;
	_ =	strace $0x9FFFFFFF  }
0xc2: {  	(tm) =	ssettm $0x7FFFFFFF  }
0xc3: {  	_ =	shalt  }
tec
execute0_lowered:
.L_overlay_start_1:
0x0: {  	(tag) =	ssettag $0x1  }
0x1: {  	s6 =	rddreg [dreg:$0x0]  }
0x2: {  	s0 =	srdreg.scid;
	s2 =	rddreg [dreg:$0x1]  }
0x3: {  	s1 =	rddreg [dreg:$0x2];
	s5 =	sand.u32 $0x1, s0  }
0x4: {  	s0 =	stileid.u32;
	s4 =	smul.u32 $0x27100, s5  }
0x5: {  	s3 =	simm.s32 $0x0;
	s13 =	simm.s32 $0x50;
	s7 =	smul.u32 $0x2710, s0  }
0x6: {  	s14 =	simm.s32 $0x0;
	[smem:$0x7FF] =	sst s3;
	s26 =	smul.u32 $0x2800, s0  }
0x7: {  	_ =	strace $0x80000047;
	s9 =	smul.u32 $0x28000, s5;
	s5 =	ssub.s32 $0x2, s5  }
0x8: {  	s10 =	smul.u32 $0x50000, s0;
	s31 =	sshll.u32 s0, $0x6;
	s28 =	sshrl.u32 s5, $0x1  }
0x9: {  	s4 =	sadd.s32 s7, s4;
	s11 =	sadd.s32 s26, s6;
	s7 =	sadd.s32 s26, s9  }
0xa: {  	s29 =	ssub.s32 s5, s28;
	s30 =	sshrl.u32 s10, $0x2;
	s9 =	simm.s32 $0x80  }
0xb: {  	s10 =	simm.s32 $0x1;
	s4 =	sshrl.u32 s4, $0x3;
	s12 =	sadd.s32 s30, s2  }
0xc: {  	s5 =	sadd.s32 $0x17200, s11;
	s11 =	sor.u32 $0x1C01, s31;
	s8 =	sadd.s32 s4, s6  }
0xd: {  	s4 =	sadd.s32 $0x3F200, s6;
	s6 =	sadd.s32 s7, s6;
	s7 =	smax.u32 s29, $0x1  }
0xe: {  	s12 =	sshrl.u32 s12, $0x3;
	s6 =	sadd.s32 $0x3F800, s6;
	s8 =	sadd.s32 $0xD400, s8  }
.LBB2_1:
0xf: {  	[tilespmem:s9], [sflag:$0x1] =	stream.linear.gather [hbm4b:s4+s3], $0x2800, $0x38;
	[tilespmem:$0x5080] =	vst v63  }
0x10: {  	_ =	swait.ge [sflag:s10], $0x2800  }
0x11: {  	[sflag:s10] =	ssyncset.done $0x0  }
0x12: {  	[sflag:s10] =	ssyncadd.s32 $0xFFFFD800  }
0x13: {  	[spmem:s12], [sflag:s11] =	dma.local [hbm:s5], $0x2800  }
0x14: {  	_ =	swait.ge [sflag:s10], $0x2800  }
0x15: {  	[sflag:s10] =	ssyncset.done $0x0  }
0x16: {  	[sflag:s10] =	ssyncadd.s32 $0xFFFFD800  }
0x17: {  	s15 =	sadd.s32 $0x0, s8;
	[bflag:$0x0] =	sbarrier.arrive $0xFFFF  }
0x18: {  	[tilespmem:s3], [sflag:$0x1] =	stream.linear.gather [hbm4b:s15+s3], $0x50, $0x38;
	[tilespmem:$0x5080] =	vst v63  }
0x19: {  	_ =	swait.ge [sflag:s10], $0x50  }
0x1a: {  	[sflag:s10] =	ssyncset.done $0x0  }
0x1b: {  	[sflag:s10] =	ssyncadd.s32 $0xFFFFFFB0  }
0x1c: {  	[spmem:s2] =	stream.indirect.scatter.add.f32 [tilespmem:s9], [sflag:$0x1], $0x10, s3, s13, $0xb8;
	[tilespmem:$0x5080] =	vst v63  }
0x1d: {  	_ =	swait.ge [sflag:s10], $0x500  }
0x1e: {  	s16 =	simm.s32 $0x14;
	s15 =	simm.s32 $0xA;
	[sflag:s10] =	ssyncset.done $0x0  }
.LBB2_2:
0x1f: {  	s17 =	sadd.s32 s15, s8  }
0x20: {  	[sflag:s10] =	ssyncadd.s32 $0xFFFFFB00;
	s15 =	smov.u32 s16;
	s18 =	sadd.s32 $0xA, s16  }
0x21: {  	[tilespmem:s3], [sflag:$0x1] =	stream.linear.gather [hbm4b:s17+s3], $0x50, $0x38;
	[tilespmem:$0x5080] =	vst v63  }
0x22: {  	p0 =	sne.s32 s16, $0x4D8;
	_ =	swait.ge [sflag:s10], $0x50  }
.Ltmp0:
0x23: {  	[sflag:s10] =	ssyncset.done $0x0;
	(pc) =	sbr.rel @p0 .LBB2_2-.Ltmp0, $4  }
0x24: {  	[sflag:s10] =	ssyncadd.s32 $0xFFFFFFB0  }
0x25: {  	[spmem:s2] =	stream.indirect.scatter.add.f32 [tilespmem:s9], [sflag:$0x1], $0x10, s3, s13, $0xb8;
	[tilespmem:$0x5080] =	vst v63  }
0x26: {  	_ =	swait.ge [sflag:s10], $0x500  }
0x27: {  	s16 =	smov.u32 s18;
	[sflag:s10] =	ssyncset.done $0x0  }
0x28: {  	s15 =	sadd.s32 s15, s8;
	[sflag:s10] =	ssyncadd.s32 $0xFFFFFB00  }
0x29: {  	[tilespmem:s3], [sflag:$0x1] =	stream.linear.gather [hbm4b:s15+s3], $0x50, $0x38;
	[tilespmem:$0x5080] =	vst v63  }
0x2a: {  	_ =	swait.ge [sflag:s10], $0x50  }
0x2b: {  	[sflag:s10] =	ssyncset.done $0x0  }
0x2c: {  	[sflag:s10] =	ssyncadd.s32 $0xFFFFFFB0  }
0x2d: {  	[spmem:s2] =	stream.indirect.scatter.add.f32 [tilespmem:s9], [sflag:$0x1], $0x10, s3, s13, $0xb8;
	[tilespmem:$0x5080] =	vst v63  }
0x2e: {  	_ =	swait.ge [sflag:s10], $0x500  }
0x2f: {  	s14 =	sadd.s32 $0x1, s14;
	[sflag:s10] =	ssyncset.done $0x0  }
0x30: {  	p0 =	sne.s32 s14, s7;
	[sflag:s10] =	ssyncadd.s32 $0xFFFFFB00  }
.Ltmp1:
0x31: {  	[bflag:$0x0] =	sbarrier.arrive $0xFFFF;
	(pc) =	sbr.rel @p0 .LBB2_1-.Ltmp1, $4  }
0x32: {  	[hbm:s6], [sflag:s11] =	dma.local [spmem:s12], $0x2800  }
0x33: {  	_ =	swait.ge [sflag:s10], $0x2800  }
0x34: {  	[sflag:s10] =	ssyncset.done $0x0  }
0x35: {  	[sflag:s10] =	ssyncadd.s32 $0xFFFFD800  }
0x36: {  	_ =	sfence.sel $0x180000  }
0x37: {  	[bflag:$0x0] =	sbarrier.arrive $0xFFFF  }
0x38: {  	p0 =	sne.s32 s0, $0x0;
	_ =	strace $0x90000047  }
0x39: {  	s0 =	sadd.s32 @!p0 $0x100000, s1;
	[bflag:$0x2] =	sbarrier.arrive $0xFFFF  }
0x3a: {  	[sflag:s0] =	ssyncadd.tile.s32 @!p0 $0x1;
	_ =	shalt  }
.Lfunc_end2:
_tile_overlayer_lowered:
.L_overlay_start_2:
0x3b: {  	(tag) =	ssettag $0x2  }
0x3c: {  	s0 =	rddreg [dreg:$0x0];
	s2 =	stileid.u32  }
0x3d: {  	s1 =	rddreg [dreg:$0x1];
	p0 =	sne.s32 s2, $0x0  }
0x3e: {  	s3 =	rddreg [dreg:$0x2];
	[bflag:$0x3] =	sbarrier.arrive $0xFFFF;
	s2 =	simm.s32 @!p0 $0x1C01  }
0x3f: {  	[timem:s3], [sflag:s2] =	dma.local @!p0 [hbm:s0], s1  }
0x40: {  	s0 =	simm.s32 @!p0 $0x1  }
0x41: {  	_ =	swait.ge @!p0 [sflag:s0], s1  }
0x42: {  	s1 =	ssub.s32 @!p0 $0x0, s1;
	[sflag:s0] =	ssyncset.done @!p0 $0x0  }
0x43: {  	[sflag:s0] =	ssyncadd.s32 @!p0 s1  }
0x44: {  	[bflag:$0x3] =	sbarrier.arrive $0xFFFF  }
0x45: {  	_ =	shalt  }

// kernel: kernel.13.cloned.1.call-start
scs
__scs_entry_jumppad:
0x0: {  	(pc) =	sbr.rel $0x88, $3  }
0x1: {  	(tag) =	ssettag $0x0;
	lr =	simm.s32 $0x1  }
0x2: {  	[smem:$0x3F8F] =	sst lr;
	_ =	strace $0xD0000000  }
0x3: {  	_ = 	snop  }
0x4: {  	_ = 	snop  }
0x5: {  	_ = 	snop  }
0x6: {  	_ = 	snop  }
0x7: {  	_ = 	snop  }
__scs_overlays_trampoline_lowered:
0x8: {  	[smem:$0x3F9E] =	sst s0  }
0x9: {  	[smem:$0x3F9F] =	sst s1  }
0xa: {  	[smem:$0x3FA0] =	sst s2  }
0xb: {  	[smem:$0x3FA1] =	sst s3  }
0xc: {  	[smem:$0x3FA2] =	sst s4  }
0xd: {  	[smem:$0x3FA3] =	sst s5  }
0xe: {  	[smem:$0x3FA4] =	sst s6  }
0xf: {  	[smem:$0x3FA5] =	sst s7  }
0x10: {  	[smem:$0x3FA6] =	sst s8  }
0x11: {  	[smem:$0x3FA7] =	sst s9;
	s0 =	simm.s32 @!p0 $0x0  }
0x12: {  	s1 =	sld [smem:$0x3F8D];
	s0 =	simm.s32 @p0 $0x1  }
0x13: {  	[smem:$0x3FA8] =	sst s0;
	s0 =	simm.s32 @!p1 $0x0  }
0x14: {  	s2 =	sld [smem:$0x3F8C];
	s0 =	simm.s32 @p1 $0x1  }
0x15: {  	[smem:$0x3FA9] =	sst s0;
	s0 =	simm.s32 @!p2 $0x0  }
0x16: {  	s3 =	sld [smem:$0x3FDB];
	s0 =	simm.s32 @p2 $0x1  }
0x17: {  	s4 =	simm.s32 $0x1BF5;
	[smem:$0x3FAB] =	sst s0  }
0x18: {  	s0 =	sld [smem:$0x3F8E];
	_ =	swait.ge [sflag:s4], $0x0  }
0x19: {  	s7 =	sld [smem:$0x3F8F]  }
0x1a: {  	s8 =	sadd.s32 $0xFFFFE003, lr  }
0x1b: {  	s9 =	sadd.s32 $0xFFFFFEF7, lr;
	s5 =	simm.s32 $0xFFFFFFFF;
	p2 =	slt.u32 s8, $0xFFFFF086  }
0x1c: {  	p1 =	slt.u32 s9, $0xF7A;
	s5 =	simm.s32 @!p2 $0x0  }
0x1d: {  	s5 =	simm.s32 @p1 $0x1;
	p0 =	seq.s32 s7, s2  }
0x1e: {  	s7 =	smul.u32 @!p0 $0xF7A, s2;
	p2 =	seq.s32 @!p0 s5, $0x0  }
0x1f: {  	s9 =	smul.u32 $0xF7A, s1;
	s8 =	simm.s32 @!p0 $0x1BF5;
	p2 =	por !p2, p0  }
0x20: {  	[sflag:s8] =	ssyncset.s32 @!p0 $0xFFFFF086;
	s6 =	sadd.s32 @!p0 s3, s7;
	s7 =	simm.s32 @!p0 $0x108  }
0x21: {  	s3 =	sadd.s32 s3, s9;
	s6 =	sadd.s32 @!p0 $0x88, s6;
	s7 =	simm.s32 @p2 $0x1082  }
0x22: {  	[simem:s7], [sflag:s8] =	dma.local @!p0 [hbm:s6], $0xF7A  }
0x23: {  	s9 =	sor.u32 $0xD0000000, s2;
	s6 =	simm.s32 $0x108;
	_ =	swait.ge @!p0 [sflag:s8], $0x0  }
0x24: {  	s3 =	sadd.s32 $0x88, s3;
	s6 =	simm.s32 @!p1 $0x1082;
	[sflag:s4] =	ssyncset.s32 $0xFFFFF086  }
0x25: {  	[simem:s6], [sflag:s4] =	dma.local [hbm:s3], $0xF7A  }
0x26: {  	[smem:$0x3F8F] =	sst s1;
	(tag) =	ssettag s2;
	_ =	strace s9  }
0x27: {  	s1 =	sld [smem:$0x3F9F]  }
0x28: {  	s2 =	sld [smem:$0x3FA0]  }
0x29: {  	s4 =	sld [smem:$0x3FA2]  }
0x2a: {  	p0 =	seq.s32 s5, $0x0;
	s5 =	sld [smem:$0x3FA3]  }
0x2b: {  	s6 =	sld [smem:$0x3FA4]  }
0x2c: {  	s7 =	sld [smem:$0x3FA5]  }
0x2d: {  	s3 =	simm.s32 $0x108;
	s8 =	sld [smem:$0x3FA6]  }
0x2e: {  	s3 =	simm.s32 @!p0 $0x1082;
	s9 =	sld [smem:$0x3FA7]  }
0x2f: {  	lr =	sadd.s32 s0, s3;
	s0 =	sld [smem:$0x3F9E]  }
0x30: {  	s3 =	sld [smem:$0x3FA1]  }
0x31: {  	[smem:$0x3FAA] =	sst s10  }
0x32: {  	s10 =	sld [smem:$0x3FA8];
	_ =	sdelay $0x3  }
0x33: {  	p0 =	seq.s32 s10, $0x1;
	s10 =	sld [smem:$0x3FAA];
	_ =	sdelay $0x3  }
0x34: {  	[smem:$0x3FAA] =	sst s10  }
0x35: {  	s10 =	sld [smem:$0x3FA9];
	_ =	sdelay $0x3  }
0x36: {  	p1 =	seq.s32 s10, $0x1;
	s10 =	sld [smem:$0x3FAA];
	_ =	sdelay $0x3  }
0x37: {  	[smem:$0x3FAA] =	sst s10  }
0x38: {  	s10 =	sld [smem:$0x3FAB]  }
0x39: {  	_ = 	snop;
	(pc) =	sbr.ind lr, $3  }
0x3a: {  	_ = 	snop  }
0x3b: {  	_ = 	snop  }
0x3c: {  	p2 =	seq.s32 s10, $0x1;
	s10 =	sld [smem:$0x3FAA]  }
0x3d: {  	_ =	shalt  }
0x3e: {  	_ =	shalt  }
0x3f: {  	_ =	shalt  }
0x40: {  	_ =	shalt  }
0x41: {  	_ =	shalt  }
0x42: {  	_ =	shalt  }
0x43: {  	_ =	shalt  }
0x44: {  	_ =	shalt  }
0x45: {  	_ =	shalt  }
0x46: {  	_ =	shalt  }
0x47: {  	_ =	shalt  }
0x48: {  	_ =	shalt  }
0x49: {  	_ =	shalt  }
0x4a: {  	_ =	shalt  }
0x4b: {  	_ =	shalt  }
0x4c: {  	_ =	shalt  }
0x4d: {  	_ =	shalt  }
0x4e: {  	_ =	shalt  }
0x4f: {  	_ =	shalt  }
0x50: {  	_ =	shalt  }
0x51: {  	_ =	shalt  }
0x52: {  	_ =	shalt  }
0x53: {  	_ =	shalt  }
0x54: {  	_ =	shalt  }
0x55: {  	_ =	shalt  }
0x56: {  	_ =	shalt  }
0x57: {  	_ =	shalt  }
0x58: {  	_ =	shalt  }
0x59: {  	_ =	shalt  }
0x5a: {  	_ =	shalt  }
0x5b: {  	_ =	shalt  }
0x5c: {  	_ =	shalt  }
0x5d: {  	_ =	shalt  }
0x5e: {  	_ =	shalt  }
0x5f: {  	_ =	shalt  }
0x60: {  	_ =	shalt  }
0x61: {  	_ =	shalt  }
0x62: {  	_ =	shalt  }
0x63: {  	_ =	shalt  }
0x64: {  	_ =	shalt  }
0x65: {  	_ =	shalt  }
0x66: {  	_ =	shalt  }
0x67: {  	_ =	shalt  }
0x68: {  	_ =	shalt  }
0x69: {  	_ =	shalt  }
0x6a: {  	_ =	shalt  }
0x6b: {  	_ =	shalt  }
0x6c: {  	_ =	shalt  }
0x6d: {  	_ =	shalt  }
0x6e: {  	_ =	shalt  }
0x6f: {  	_ =	shalt  }
0x70: {  	_ =	shalt  }
0x71: {  	_ =	shalt  }
0x72: {  	_ =	shalt  }
0x73: {  	_ =	shalt  }
0x74: {  	_ =	shalt  }
0x75: {  	_ =	shalt  }
0x76: {  	_ =	shalt  }
0x77: {  	_ =	shalt  }
0x78: {  	_ =	shalt  }
0x79: {  	_ =	shalt  }
0x7a: {  	_ =	shalt  }
0x7b: {  	_ =	shalt  }
0x7c: {  	_ =	shalt  }
0x7d: {  	_ =	shalt  }
0x7e: {  	_ =	shalt  }
0x7f: {  	_ =	shalt  }
0x80: {  	_ =	shalt  }
0x81: {  	_ =	shalt  }
0x82: {  	_ =	shalt  }
0x83: {  	_ =	shalt  }
0x84: {  	_ =	shalt  }
0x85: {  	_ =	shalt  }
0x86: {  	_ =	shalt  }
0x87: {  	_ =	shalt  }
.Lfunc_end0:
.L_simem_size_0:
called_computation.1_lowered:
.L_overlay_start_0:
0x88: {  	s2 =	sld [smem:$0x3FD9]  }
0x89: {  	s3 =	sld [smem:$0x3FFE];
	_ =	sdelay $0x1  }
0x8a: {  	s1 =	srdreg.scid  }
0x8b: {  	s0 =	sand.u32 $0x1, s1  }
0x8c: {  	s16 =	sshll.u32 s0, $0xA;
	s2 =	sadd.s32 s3, s2  }
0x8d: {  	s2 =	sadd.s32 s2, s16  }
0x8e: {  	[smem:$0x3FB6] =	sst s2  }
0x8f: {  	_ = 	snop  }
0x90: {  	(tm) =	ssettm $0x1  }
0x91: {  	s17 =	sld [smem:$0x3FFB];
	_ =	sdelay $0x3  }
0x92: {  	_ =	strace s17  }
0x93: {  	s2 =	sld [smem:$0x3FFC];
	_ =	sdelay $0x3  }
0x94: {  	_ =	strace s2  }
0x95: {  	s2 =	sld [smem:$0x3FFD];
	_ =	sdelay $0x3  }
0x96: {  	_ =	strace s2  }
0x97: {  	_ =	strace $0x8FFFFFFF  }
0x98: {  	s18 =	sld [smem:$0x3FDB];
	_ =	sdelay $0x1  }
0x99: {  	s19 =	simm.s32 $_scs_section_size  }
0x9a: {  	s4 =	simm.s32 $_size__tile_overlayer_lowered;
	s5 =	simm.s32 $_tile_overlayer_lowered  }
0x9b: {  	s22 =	simm.s32 $0x1BFF;
	s21 =	sshll.u32 s5, $0x1;
	s2 =	sadd.s32 s19, s18  }
0x9c: {  	s6 =	simm.s32 $0x0;
	s20 =	sshll.u32 s4, $0x1;
	s4 =	sadd.s32 s21, s2  }
0x9d: {  	[timem:s6], [sflag:s22] =	dma.local [hbm:s4], s20  }
0x9e: {  	_ =	swait.ge [sflag:s22], s20  }
0x9f: {  	s3 =	ssub.s32 $0x0, s20;
	[sflag:s22] =	ssyncset.done $0x0  }
0xa0: {  	[sflag:s22] =	ssyncadd.s32 s3;
	_ =	sdelay $0x1  }
0xa1: {  	s23 =	simm.s32 $0x1B8B  }
0xa2: {  	_ =	swait.ge [sflag:s23], $0x1  }
0xa3: {  	[sflag:s23] =	ssyncset.done $0x0  }
0xa4: {  	s25 =	simm.s32 $0x1B8E;
	s24 =	sld [smem:$0x3FFE];
	[sflag:s23] =	ssyncadd.s32 $0xFFFFFFFF  }
0xa5: {  	s26 =	simm.s32 $execute0_lowered;
	[smem:$0x3FD2] =	sst s25  }
0xa6: {  	s4 =	sshll.u32 s26, $0x1;
	_ =	strace $0x80000049;
	[dreg:$0x1] =	wrdreg $0xFFFFFFFF  }
0xa7: {  	s28 =	simm.s32 $_size_execute0_lowered;
	s2 =	sadd.s32 s2, s4;
	[dreg:$0x0] =	wrdreg $0x0  }
0xa8: {  	s4 =	sshll.u32 s28, $0x1;
	[dreg:$0x2] =	wrdreg s2  }
0xa9: {  	[dreg:$0x3] =	wrdreg s4  }
0xaa: {  	[dreg:$0x4] =	wrdreg $0xC0  }
0xab: {  	_ =	task [dreg:s6], $0x5FFFF  }
0xac: {  	[dreg:$0x1] =	wrdreg $0xFFFFFFFF  }
0xad: {  	[dreg:$0x0] =	wrdreg $0x60  }
0xae: {  	[dreg:$0x2] =	wrdreg s24  }
0xaf: {  	[dreg:$0x3] =	wrdreg $0x29000  }
0xb0: {  	[dreg:$0x4] =	wrdreg $0x9  }
0xb1: {  	_ =	task.clear_ibuf [dreg:s6], $0x5FFFF;
	_ =	strace $0x90000049  }
0xb2: {  	s29 =	simm.s32 $0x9;
	_ =	strace $0x8000004B  }
0xb3: {  	_ =	swait.ge [sflag:s29], $0x1  }
0xb4: {  	[sflag:s29] =	ssyncadd.s32 $0xFFFFFFFF  }
0xb5: {  	_ =	strace $0x9000004B  }
0xb6: {  	_ =	sfence  }
0xb7: {  	s30 =	sld [smem:$0x0];
	_ =	sdelay $0x2  }
0xb8: {  	s31 =	sshll.u32 s1, $0xD;
	s1 =	sshrl.u32 s1, $0x2  }
0xb9: {  	s3 =	sand.u32 $0x4000, s31;
	s1 =	sadd.s32 s1, s30  }
0xba: {  	s0 =	sor.u32 s3, s0;
	s1 =	sshll.u32 s1, $0x11  }
0xbb: {  	s0 =	sor.u32 s1, s0  }
0xbc: {  	s0 =	sadd.s32 $0x8F2B, s0  }
0xbd: {  	[sflag:s0] =	ssyncadd.remote.s32 $0x1  }
0xbe: {  	_ =	sfence.sel $0xFFFF  }
0xbf: {  	[dreg:$0x0] =	wrdreg $0xFFFFFFFF;
	(pc) =	sbr.abs _section_cstart, $3  }
0xc0: {  	[dreg:$0x1] =	wrdreg $0xFFFFFFFF  }
0xc1: {  	_ =	task.clear_ibuf [dreg:s6], $0x2FFFF;
	_ =	strace $0x9FFFFFFF  }
0xc2: {  	(tm) =	ssettm $0x7FFFFFFF  }
0xc3: {  	_ =	shalt  }
tec
execute0_lowered:
.L_overlay_start_1:
0x0: {  	(tag) =	ssettag $0x1  }
0x1: {  	s5 =	rddreg [dreg:$0x0];
	s0 =	srdreg.scid  }
0x2: {  	s2 =	rddreg [dreg:$0x1];
	s1 =	stileid.u32  }
0x3: {  	s3 =	simm.s32 $0x0;
	s13 =	simm.s32 $0x80;
	s14 =	simm.s32 $0x50  }
0x4: {  	s15 =	simm.s32 $0x100;
	s16 =	simm.s32 $0x1;
	s7 =	smul.u32 $0x2710, s1  }
0x5: {  	s6 =	sand.u32 $0x1, s0;
	s0 =	rddreg [dreg:$0x2];
	s8 =	smul.u32 $0x2800, s1  }
0x6: {  	s17 =	simm.s32 $0x0;
	[smem:$0x7FF] =	sst s3;
	s28 =	smul.u32 $0x50000, s1  }
0x7: {  	s31 =	sshll.u32 s1, $0x6;
	s4 =	smul.u32 $0x27100, s6;
	_ =	strace $0x8000004A  }
0x8: {  	s9 =	smul.u32 $0x28000, s6;
	s6 =	ssub.s32 $0x2, s6;
	s11 =	sadd.s32 s8, s5  }
0x9: {  	s29 =	sshrl.u32 s6, $0x1;
	s30 =	sshrl.u32 s28, $0x2;
	s7 =	sadd.s32 s7, s4  }
0xa: {  	s4 =	sadd.s32 $0x17200, s5;
	s8 =	sadd.s32 s8, s9;
	s9 =	ssub.s32 s6, s29  }
0xb: {  	s12 =	sadd.s32 s30, s2;
	s6 =	sor.u32 $0x1C02, s31;
	s7 =	sshrl.u32 s7, $0x3  }
0xc: {  	s8 =	sadd.s32 s8, s5;
	s10 =	sadd.s32 s7, s5;
	s5 =	sadd.s32 $0x3E400, s11  }
0xd: {  	s7 =	sadd.s32 $0xB6A00, s8;
	s8 =	smax.u32 s9, $0x1;
	s11 =	sshrl.u32 s12, $0x3  }
0xe: {  	s12 =	simm.s32 $0x2;
	s9 =	sadd.s32 $0xD400, s10;
	s10 =	sadd.s32 $0x3600, s10  }
.LBB2_1:
0xf: {  	[spmem:s11], [sflag:s6] =	dma.local [hbm:s5], $0x2800  }
0x10: {  	_ =	swait.ge [sflag:s12], $0x2800  }
0x11: {  	[sflag:s12] =	ssyncset.done $0x0  }
0x12: {  	[sflag:s12] =	ssyncadd.s32 $0xFFFFD800  }
0x13: {  	s18 =	sadd.s32 $0x0, s10;
	[bflag:$0x0] =	sbarrier.arrive $0xFFFF  }
0x14: {  	[tilespmem:s3], [sflag:$0x2] =	stream.linear.gather [hbm4b:s18+s3], $0x50, $0x38;
	[tilespmem:$0x16900] =	vst v63  }
0x15: {  	_ =	swait.ge [sflag:s12], $0x50  }
0x16: {  	[sflag:s12] =	ssyncset.done $0x0  }
0x17: {  	s31 =	sadd.s32 $0x0, s9;
	[sflag:s12] =	ssyncadd.s32 $0xFFFFFFB0  }
0x18: {  	[tilespmem:s13], [sflag:$0x2] =	stream.linear.gather [hbm4b:s31+s3], $0x50, $0x38;
	[tilespmem:$0x16900] =	vst v63  }
0x19: {  	_ =	swait.ge [sflag:s12], $0x50  }
0x1a: {  	[sflag:s12] =	ssyncset.done $0x0  }
0x1b: {  	[sflag:s12] =	ssyncadd.s32 $0xFFFFFFB0  }
0x1c: {  	[tilespmem:s15], [sflag:$0x1] =	stream.indirect.gather [hbm4b:s4+s14], $0x80, s3, s14, $0xb8;
	[tilespmem:$0x16900] =	vst v63  }
0x1d: {  	_ =	swait.ge [sflag:s16], $0x2800  }
0x1e: {  	[sflag:s16] =	ssyncset.done $0x0  }
0x1f: {  	[sflag:s16] =	ssyncadd.s32 $0xFFFFD800  }
0x20: {  	[spmem:s2] =	stream.indirect.scatter.add.f32 [tilespmem:s15], [sflag:$0x2], $0x80, s13, s14, $0xb8;
	[tilespmem:$0x16900] =	vst v63  }
0x21: {  	_ =	swait.ge [sflag:s12], $0x2800  }
0x22: {  	s19 =	simm.s32 $0x14;
	s18 =	simm.s32 $0xA;
	[sflag:s12] =	ssyncset.done $0x0  }
.LBB2_2:
0x23: {  	s20 =	sadd.s32 s18, s10  }
0x24: {  	[sflag:s12] =	ssyncadd.s32 $0xFFFFD800;
	s21 =	smov.u32 s19;
	s22 =	sadd.s32 $0xA, s19  }
0x25: {  	[tilespmem:s3], [sflag:$0x2] =	stream.linear.gather [hbm4b:s20+s3], $0x50, $0x38;
	[tilespmem:$0x16900] =	vst v63  }
0x26: {  	p0 =	sne.s32 s19, $0x4D8;
	_ =	swait.ge [sflag:s12], $0x50  }
0x27: {  	[sflag:s12] =	ssyncset.done $0x0  }
0x28: {  	s19 =	sadd.s32 s18, s9;
	s18 =	smov.u32 s21;
	[sflag:s12] =	ssyncadd.s32 $0xFFFFFFB0  }
0x29: {  	[tilespmem:s13], [sflag:$0x2] =	stream.linear.gather [hbm4b:s19+s3], $0x50, $0x38;
	[tilespmem:$0x16900] =	vst v63  }
0x2a: {  	_ =	swait.ge [sflag:s12], $0x50  }
0x2b: {  	[sflag:s12] =	ssyncset.done $0x0  }
0x2c: {  	[sflag:s12] =	ssyncadd.s32 $0xFFFFFFB0  }
0x2d: {  	[tilespmem:s15], [sflag:$0x1] =	stream.indirect.gather [hbm4b:s4+s14], $0x80, s3, s14, $0xb8;
	[tilespmem:$0x16900] =	vst v63  }
0x2e: {  	_ =	swait.ge [sflag:s16], $0x2800  }
.Ltmp0:
0x2f: {  	[sflag:s16] =	ssyncset.done $0x0;
	(pc) =	sbr.rel @p0 .LBB2_2-.Ltmp0, $4  }
0x30: {  	[sflag:s16] =	ssyncadd.s32 $0xFFFFD800  }
0x31: {  	[spmem:s2] =	stream.indirect.scatter.add.f32 [tilespmem:s15], [sflag:$0x2], $0x80, s13, s14, $0xb8;
	[tilespmem:$0x16900] =	vst v63  }
0x32: {  	_ =	swait.ge [sflag:s12], $0x2800  }
0x33: {  	s19 =	smov.u32 s22;
	[sflag:s12] =	ssyncset.done $0x0  }
0x34: {  	s19 =	sadd.s32 s18, s10;
	[sflag:s12] =	ssyncadd.s32 $0xFFFFD800  }
0x35: {  	[tilespmem:s3], [sflag:$0x2] =	stream.linear.gather [hbm4b:s19+s3], $0x50, $0x38;
	[tilespmem:$0x16900] =	vst v63  }
0x36: {  	_ =	swait.ge [sflag:s12], $0x50  }
0x37: {  	[sflag:s12] =	ssyncset.done $0x0  }
0x38: {  	s31 =	sadd.s32 s18, s9;
	[sflag:s12] =	ssyncadd.s32 $0xFFFFFFB0  }
0x39: {  	[tilespmem:s13], [sflag:$0x2] =	stream.linear.gather [hbm4b:s31+s3], $0x50, $0x38;
	[tilespmem:$0x16900] =	vst v63  }
0x3a: {  	_ =	swait.ge [sflag:s12], $0x50  }
0x3b: {  	[sflag:s12] =	ssyncset.done $0x0  }
0x3c: {  	[sflag:s12] =	ssyncadd.s32 $0xFFFFFFB0  }
0x3d: {  	[tilespmem:s15], [sflag:$0x1] =	stream.indirect.gather [hbm4b:s4+s14], $0x80, s3, s14, $0xb8;
	[tilespmem:$0x16900] =	vst v63  }
0x3e: {  	_ =	swait.ge [sflag:s16], $0x2800  }
0x3f: {  	[sflag:s16] =	ssyncset.done $0x0  }
0x40: {  	[sflag:s16] =	ssyncadd.s32 $0xFFFFD800  }
0x41: {  	[spmem:s2] =	stream.indirect.scatter.add.f32 [tilespmem:s15], [sflag:$0x2], $0x80, s13, s14, $0xb8;
	[tilespmem:$0x16900] =	vst v63  }
0x42: {  	_ =	swait.ge [sflag:s12], $0x2800  }
0x43: {  	s17 =	sadd.s32 $0x1, s17;
	[sflag:s12] =	ssyncset.done $0x0  }
0x44: {  	p0 =	sne.s32 s17, s8;
	[sflag:s12] =	ssyncadd.s32 $0xFFFFD800  }
.Ltmp1:
0x45: {  	[bflag:$0x0] =	sbarrier.arrive $0xFFFF;
	(pc) =	sbr.rel @p0 .LBB2_1-.Ltmp1, $4  }
0x46: {  	[hbm:s7], [sflag:s6] =	dma.local [spmem:s11], $0x2800  }
0x47: {  	_ =	swait.ge [sflag:s12], $0x2800  }
0x48: {  	[sflag:s12] =	ssyncset.done $0x0  }
0x49: {  	[sflag:s12] =	ssyncadd.s32 $0xFFFFD800  }
0x4a: {  	_ =	sfence.sel $0x180000  }
0x4b: {  	[bflag:$0x0] =	sbarrier.arrive $0xFFFF  }
0x4c: {  	p0 =	sne.s32 s1, $0x0;
	_ =	strace $0x9000004A  }
0x4d: {  	s0 =	sadd.s32 @!p0 $0x100000, s0;
	[bflag:$0x2] =	sbarrier.arrive $0xFFFF  }
0x4e: {  	[sflag:s0] =	ssyncadd.tile.s32 @!p0 $0x1;
	_ =	shalt  }
.Lfunc_end2:
_tile_overlayer_lowered:
.L_overlay_start_2:
0x4f: {  	(tag) =	ssettag $0x2  }
0x50: {  	s0 =	rddreg [dreg:$0x0];
	s2 =	stileid.u32  }
0x51: {  	s1 =	rddreg [dreg:$0x1];
	p0 =	sne.s32 s2, $0x0  }
0x52: {  	s3 =	rddreg [dreg:$0x2];
	[bflag:$0x3] =	sbarrier.arrive $0xFFFF;
	s2 =	simm.s32 @!p0 $0x1C02  }
0x53: {  	[timem:s3], [sflag:s2] =	dma.local @!p0 [hbm:s0], s1  }
0x54: {  	s0 =	simm.s32 @!p0 $0x2  }
0x55: {  	_ =	swait.ge @!p0 [sflag:s0], s1  }
0x56: {  	s1 =	ssub.s32 @!p0 $0x0, s1;
	[sflag:s0] =	ssyncset.done @!p0 $0x0  }
0x57: {  	[sflag:s0] =	ssyncadd.s32 @!p0 s1  }
0x58: {  	[bflag:$0x3] =	sbarrier.arrive $0xFFFF  }
0x59: {  	_ =	shalt  }

// kernel: kernel.16.cloned.1.call-start
scs
__scs_entry_jumppad:
0x0: {  	(pc) =	sbr.rel $0x88, $3  }
0x1: {  	(tag) =	ssettag $0x0;
	lr =	simm.s32 $0x1  }
0x2: {  	[smem:$0x3F8F] =	sst lr;
	_ =	strace $0xD0000000  }
0x3: {  	_ = 	snop  }
0x4: {  	_ = 	snop  }
0x5: {  	_ = 	snop  }
0x6: {  	_ = 	snop  }
0x7: {  	_ = 	snop  }
__scs_overlays_trampoline_lowered:
0x8: {  	[smem:$0x3F9E] =	sst s0  }
0x9: {  	[smem:$0x3F9F] =	sst s1  }
0xa: {  	[smem:$0x3FA0] =	sst s2  }
0xb: {  	[smem:$0x3FA1] =	sst s3  }
0xc: {  	[smem:$0x3FA2] =	sst s4  }
0xd: {  	[smem:$0x3FA3] =	sst s5  }
0xe: {  	[smem:$0x3FA4] =	sst s6  }
0xf: {  	[smem:$0x3FA5] =	sst s7  }
0x10: {  	[smem:$0x3FA6] =	sst s8  }
0x11: {  	[smem:$0x3FA7] =	sst s9;
	s0 =	simm.s32 @!p0 $0x0  }
0x12: {  	s1 =	sld [smem:$0x3F8D];
	s0 =	simm.s32 @p0 $0x1  }
0x13: {  	[smem:$0x3FA8] =	sst s0;
	s0 =	simm.s32 @!p1 $0x0  }
0x14: {  	s2 =	sld [smem:$0x3F8C];
	s0 =	simm.s32 @p1 $0x1  }
0x15: {  	[smem:$0x3FA9] =	sst s0;
	s0 =	simm.s32 @!p2 $0x0  }
0x16: {  	s3 =	sld [smem:$0x3FDB];
	s0 =	simm.s32 @p2 $0x1  }
0x17: {  	s4 =	simm.s32 $0x1BF5;
	[smem:$0x3FAB] =	sst s0  }
0x18: {  	s0 =	sld [smem:$0x3F8E];
	_ =	swait.ge [sflag:s4], $0x0  }
0x19: {  	s7 =	sld [smem:$0x3F8F]  }
0x1a: {  	s8 =	sadd.s32 $0xFFFFE003, lr  }
0x1b: {  	s9 =	sadd.s32 $0xFFFFFEF7, lr;
	s5 =	simm.s32 $0xFFFFFFFF;
	p2 =	slt.u32 s8, $0xFFFFF086  }
0x1c: {  	p1 =	slt.u32 s9, $0xF7A;
	s5 =	simm.s32 @!p2 $0x0  }
0x1d: {  	s5 =	simm.s32 @p1 $0x1;
	p0 =	seq.s32 s7, s2  }
0x1e: {  	s7 =	smul.u32 @!p0 $0xF7A, s2;
	p2 =	seq.s32 @!p0 s5, $0x0  }
0x1f: {  	s9 =	smul.u32 $0xF7A, s1;
	s8 =	simm.s32 @!p0 $0x1BF5;
	p2 =	por !p2, p0  }
0x20: {  	[sflag:s8] =	ssyncset.s32 @!p0 $0xFFFFF086;
	s6 =	sadd.s32 @!p0 s3, s7;
	s7 =	simm.s32 @!p0 $0x108  }
0x21: {  	s3 =	sadd.s32 s3, s9;
	s6 =	sadd.s32 @!p0 $0x88, s6;
	s7 =	simm.s32 @p2 $0x1082  }
0x22: {  	[simem:s7], [sflag:s8] =	dma.local @!p0 [hbm:s6], $0xF7A  }
0x23: {  	s9 =	sor.u32 $0xD0000000, s2;
	s6 =	simm.s32 $0x108;
	_ =	swait.ge @!p0 [sflag:s8], $0x0  }
0x24: {  	s3 =	sadd.s32 $0x88, s3;
	s6 =	simm.s32 @!p1 $0x1082;
	[sflag:s4] =	ssyncset.s32 $0xFFFFF086  }
0x25: {  	[simem:s6], [sflag:s4] =	dma.local [hbm:s3], $0xF7A  }
0x26: {  	[smem:$0x3F8F] =	sst s1;
	(tag) =	ssettag s2;
	_ =	strace s9  }
0x27: {  	s1 =	sld [smem:$0x3F9F]  }
0x28: {  	s2 =	sld [smem:$0x3FA0]  }
0x29: {  	s4 =	sld [smem:$0x3FA2]  }
0x2a: {  	p0 =	seq.s32 s5, $0x0;
	s5 =	sld [smem:$0x3FA3]  }
0x2b: {  	s6 =	sld [smem:$0x3FA4]  }
0x2c: {  	s7 =	sld [smem:$0x3FA5]  }
0x2d: {  	s3 =	simm.s32 $0x108;
	s8 =	sld [smem:$0x3FA6]  }
0x2e: {  	s3 =	simm.s32 @!p0 $0x1082;
	s9 =	sld [smem:$0x3FA7]  }
0x2f: {  	lr =	sadd.s32 s0, s3;
	s0 =	sld [smem:$0x3F9E]  }
0x30: {  	s3 =	sld [smem:$0x3FA1]  }
0x31: {  	[smem:$0x3FAA] =	sst s10  }
0x32: {  	s10 =	sld [smem:$0x3FA8];
	_ =	sdelay $0x3  }
0x33: {  	p0 =	seq.s32 s10, $0x1;
	s10 =	sld [smem:$0x3FAA];
	_ =	sdelay $0x3  }
0x34: {  	[smem:$0x3FAA] =	sst s10  }
0x35: {  	s10 =	sld [smem:$0x3FA9];
	_ =	sdelay $0x3  }
0x36: {  	p1 =	seq.s32 s10, $0x1;
	s10 =	sld [smem:$0x3FAA];
	_ =	sdelay $0x3  }
0x37: {  	[smem:$0x3FAA] =	sst s10  }
0x38: {  	s10 =	sld [smem:$0x3FAB]  }
0x39: {  	_ = 	snop;
	(pc) =	sbr.ind lr, $3  }
0x3a: {  	_ = 	snop  }
0x3b: {  	_ = 	snop  }
0x3c: {  	p2 =	seq.s32 s10, $0x1;
	s10 =	sld [smem:$0x3FAA]  }
0x3d: {  	_ =	shalt  }
0x3e: {  	_ =	shalt  }
0x3f: {  	_ =	shalt  }
0x40: {  	_ =	shalt  }
0x41: {  	_ =	shalt  }
0x42: {  	_ =	shalt  }
0x43: {  	_ =	shalt  }
0x44: {  	_ =	shalt  }
0x45: {  	_ =	shalt  }
0x46: {  	_ =	shalt  }
0x47: {  	_ =	shalt  }
0x48: {  	_ =	shalt  }
0x49: {  	_ =	shalt  }
0x4a: {  	_ =	shalt  }
0x4b: {  	_ =	shalt  }
0x4c: {  	_ =	shalt  }
0x4d: {  	_ =	shalt  }
0x4e: {  	_ =	shalt  }
0x4f: {  	_ =	shalt  }
0x50: {  	_ =	shalt  }
0x51: {  	_ =	shalt  }
0x52: {  	_ =	shalt  }
0x53: {  	_ =	shalt  }
0x54: {  	_ =	shalt  }
0x55: {  	_ =	shalt  }
0x56: {  	_ =	shalt  }
0x57: {  	_ =	shalt  }
0x58: {  	_ =	shalt  }
0x59: {  	_ =	shalt  }
0x5a: {  	_ =	shalt  }
0x5b: {  	_ =	shalt  }
0x5c: {  	_ =	shalt  }
0x5d: {  	_ =	shalt  }
0x5e: {  	_ =	shalt  }
0x5f: {  	_ =	shalt  }
0x60: {  	_ =	shalt  }
0x61: {  	_ =	shalt  }
0x62: {  	_ =	shalt  }
0x63: {  	_ =	shalt  }
0x64: {  	_ =	shalt  }
0x65: {  	_ =	shalt  }
0x66: {  	_ =	shalt  }
0x67: {  	_ =	shalt  }
0x68: {  	_ =	shalt  }
0x69: {  	_ =	shalt  }
0x6a: {  	_ =	shalt  }
0x6b: {  	_ =	shalt  }
0x6c: {  	_ =	shalt  }
0x6d: {  	_ =	shalt  }
0x6e: {  	_ =	shalt  }
0x6f: {  	_ =	shalt  }
0x70: {  	_ =	shalt  }
0x71: {  	_ =	shalt  }
0x72: {  	_ =	shalt  }
0x73: {  	_ =	shalt  }
0x74: {  	_ =	shalt  }
0x75: {  	_ =	shalt  }
0x76: {  	_ =	shalt  }
0x77: {  	_ =	shalt  }
0x78: {  	_ =	shalt  }
0x79: {  	_ =	shalt  }
0x7a: {  	_ =	shalt  }
0x7b: {  	_ =	shalt  }
0x7c: {  	_ =	shalt  }
0x7d: {  	_ =	shalt  }
0x7e: {  	_ =	shalt  }
0x7f: {  	_ =	shalt  }
0x80: {  	_ =	shalt  }
0x81: {  	_ =	shalt  }
0x82: {  	_ =	shalt  }
0x83: {  	_ =	shalt  }
0x84: {  	_ =	shalt  }
0x85: {  	_ =	shalt  }
0x86: {  	_ =	shalt  }
0x87: {  	_ =	shalt  }
.Lfunc_end0:
.L_simem_size_0:
called_computation.2_lowered:
.L_overlay_start_0:
0x88: {  	s2 =	sld [smem:$0x3FD9]  }
0x89: {  	s3 =	sld [smem:$0x3FFE];
	_ =	sdelay $0x1  }
0x8a: {  	s1 =	srdreg.scid  }
0x8b: {  	s0 =	sand.u32 $0x1, s1  }
0x8c: {  	s16 =	sshll.u32 s0, $0xA;
	s2 =	sadd.s32 s3, s2  }
0x8d: {  	s2 =	sadd.s32 s2, s16  }
0x8e: {  	[smem:$0x3FB6] =	sst s2  }
0x8f: {  	_ = 	snop  }
0x90: {  	(tm) =	ssettm $0x1  }
0x91: {  	s17 =	sld [smem:$0x3FFB];
	_ =	sdelay $0x3  }
0x92: {  	_ =	strace s17  }
0x93: {  	s2 =	sld [smem:$0x3FFC];
	_ =	sdelay $0x3  }
0x94: {  	_ =	strace s2  }
0x95: {  	s2 =	sld [smem:$0x3FFD];
	_ =	sdelay $0x3  }
0x96: {  	_ =	strace s2  }
0x97: {  	_ =	strace $0x8FFFFFFF  }
0x98: {  	s18 =	sld [smem:$0x3FDB];
	_ =	sdelay $0x1  }
0x99: {  	s19 =	simm.s32 $_scs_section_size  }
0x9a: {  	s4 =	simm.s32 $_size__tile_overlayer_lowered;
	s5 =	simm.s32 $_tile_overlayer_lowered  }
0x9b: {  	s22 =	simm.s32 $0x1BFF;
	s21 =	sshll.u32 s5, $0x1;
	s2 =	sadd.s32 s19, s18  }
0x9c: {  	s6 =	simm.s32 $0x0;
	s20 =	sshll.u32 s4, $0x1;
	s4 =	sadd.s32 s21, s2  }
0x9d: {  	[timem:s6], [sflag:s22] =	dma.local [hbm:s4], s20  }
0x9e: {  	_ =	swait.ge [sflag:s22], s20  }
0x9f: {  	s3 =	ssub.s32 $0x0, s20;
	[sflag:s22] =	ssyncset.done $0x0  }
0xa0: {  	[sflag:s22] =	ssyncadd.s32 s3;
	_ =	sdelay $0x1  }
0xa1: {  	s23 =	simm.s32 $0x1B8B  }
0xa2: {  	_ =	swait.ge [sflag:s23], $0x1  }
0xa3: {  	[sflag:s23] =	ssyncset.done $0x0  }
0xa4: {  	s25 =	simm.s32 $0x1B8E;
	s24 =	sld [smem:$0x3FFE];
	[sflag:s23] =	ssyncadd.s32 $0xFFFFFFFF  }
0xa5: {  	s26 =	simm.s32 $execute0_lowered;
	[smem:$0x3FD2] =	sst s25  }
0xa6: {  	s4 =	sshll.u32 s26, $0x1;
	_ =	strace $0x8000004C;
	[dreg:$0x1] =	wrdreg $0xFFFFFFFF  }
0xa7: {  	s28 =	simm.s32 $_size_execute0_lowered;
	s2 =	sadd.s32 s2, s4;
	[dreg:$0x0] =	wrdreg $0x0  }
0xa8: {  	s4 =	sshll.u32 s28, $0x1;
	[dreg:$0x2] =	wrdreg s2  }
0xa9: {  	[dreg:$0x3] =	wrdreg s4  }
0xaa: {  	[dreg:$0x4] =	wrdreg $0xC0  }
0xab: {  	_ =	task [dreg:s6], $0x5FFFF  }
0xac: {  	[dreg:$0x1] =	wrdreg $0xFFFFFFFF  }
0xad: {  	[dreg:$0x0] =	wrdreg $0x60  }
0xae: {  	[dreg:$0x2] =	wrdreg s24  }
0xaf: {  	[dreg:$0x3] =	wrdreg $0x29000  }
0xb0: {  	[dreg:$0x4] =	wrdreg $0x9  }
0xb1: {  	_ =	task.clear_ibuf [dreg:s6], $0x5FFFF;
	_ =	strace $0x9000004C  }
0xb2: {  	s29 =	simm.s32 $0x9;
	_ =	strace $0x8000004E  }
0xb3: {  	_ =	swait.ge [sflag:s29], $0x1  }
0xb4: {  	[sflag:s29] =	ssyncadd.s32 $0xFFFFFFFF  }
0xb5: {  	_ =	strace $0x9000004E  }
0xb6: {  	_ =	sfence  }
0xb7: {  	s30 =	sld [smem:$0x0];
	_ =	sdelay $0x2  }
0xb8: {  	s31 =	sshll.u32 s1, $0xD;
	s1 =	sshrl.u32 s1, $0x2  }
0xb9: {  	s3 =	sand.u32 $0x4000, s31;
	s1 =	sadd.s32 s1, s30  }
0xba: {  	s0 =	sor.u32 s3, s0;
	s1 =	sshll.u32 s1, $0x11  }
0xbb: {  	s0 =	sor.u32 s1, s0  }
0xbc: {  	s0 =	sadd.s32 $0x8F2B, s0  }
0xbd: {  	[sflag:s0] =	ssyncadd.remote.s32 $0x1  }
0xbe: {  	_ =	sfence.sel $0xFFFF  }
0xbf: {  	[dreg:$0x0] =	wrdreg $0xFFFFFFFF;
	(pc) =	sbr.abs _section_cstart, $3  }
0xc0: {  	[dreg:$0x1] =	wrdreg $0xFFFFFFFF  }
0xc1: {  	_ =	task.clear_ibuf [dreg:s6], $0x2FFFF;
	_ =	strace $0x9FFFFFFF  }
0xc2: {  	(tm) =	ssettm $0x7FFFFFFF  }
0xc3: {  	_ =	shalt  }
tec
execute0_lowered:
.L_overlay_start_1:
0x0: {  	(tag) =	ssettag $0x1  }
0x1: {  	s5 =	rddreg [dreg:$0x0];
	s0 =	srdreg.scid  }
0x2: {  	s2 =	rddreg [dreg:$0x1];
	s1 =	stileid.u32  }
0x3: {  	s3 =	simm.s32 $0x0;
	s13 =	simm.s32 $0x80;
	s14 =	simm.s32 $0x50  }
0x4: {  	s15 =	simm.s32 $0x100;
	s16 =	simm.s32 $0x1;
	s7 =	smul.u32 $0x2710, s1  }
0x5: {  	s6 =	sand.u32 $0x1, s0;
	s0 =	rddreg [dreg:$0x2];
	s8 =	smul.u32 $0x2800, s1  }
0x6: {  	s17 =	simm.s32 $0x0;
	[smem:$0x7FF] =	sst s3;
	s28 =	smul.u32 $0x50000, s1  }
0x7: {  	s31 =	sshll.u32 s1, $0x6;
	s4 =	smul.u32 $0x27100, s6;
	_ =	strace $0x8000004D  }
0x8: {  	s9 =	smul.u32 $0x28000, s6;
	s6 =	ssub.s32 $0x2, s6;
	s11 =	sadd.s32 s8, s5  }
0x9: {  	s29 =	sshrl.u32 s6, $0x1;
	s30 =	sshrl.u32 s28, $0x2;
	s7 =	sadd.s32 s7, s4  }
0xa: {  	s4 =	sadd.s32 $0x17200, s5;
	s8 =	sadd.s32 s8, s9;
	s9 =	ssub.s32 s6, s29  }
0xb: {  	s12 =	sadd.s32 s30, s2;
	s6 =	sor.u32 $0x1C02, s31;
	s7 =	sshrl.u32 s7, $0x3  }
0xc: {  	s8 =	sadd.s32 s8, s5;
	s10 =	sadd.s32 s7, s5;
	s5 =	sadd.s32 $0x3E400, s11  }
0xd: {  	s7 =	sadd.s32 $0xB6A00, s8;
	s8 =	smax.u32 s9, $0x1;
	s11 =	sshrl.u32 s12, $0x3  }
0xe: {  	s12 =	simm.s32 $0x2;
	s9 =	sadd.s32 $0xD400, s10;
	s10 =	sadd.s32 $0x3600, s10  }
.LBB2_1:
0xf: {  	[spmem:s11], [sflag:s6] =	dma.local [hbm:s5], $0x2800  }
0x10: {  	_ =	swait.ge [sflag:s12], $0x2800  }
0x11: {  	[sflag:s12] =	ssyncset.done $0x0  }
0x12: {  	[sflag:s12] =	ssyncadd.s32 $0xFFFFD800  }
0x13: {  	s18 =	sadd.s32 $0x0, s10;
	[bflag:$0x0] =	sbarrier.arrive $0xFFFF  }
0x14: {  	[tilespmem:s3], [sflag:$0x2] =	stream.linear.gather [hbm4b:s18+s3], $0x50, $0x38;
	[tilespmem:$0x16900] =	vst v63  }
0x15: {  	_ =	swait.ge [sflag:s12], $0x50  }
0x16: {  	[sflag:s12] =	ssyncset.done $0x0  }
0x17: {  	s31 =	sadd.s32 $0x0, s9;
	[sflag:s12] =	ssyncadd.s32 $0xFFFFFFB0  }
0x18: {  	[tilespmem:s13], [sflag:$0x2] =	stream.linear.gather [hbm4b:s31+s3], $0x50, $0x38;
	[tilespmem:$0x16900] =	vst v63  }
0x19: {  	_ =	swait.ge [sflag:s12], $0x50  }
0x1a: {  	[sflag:s12] =	ssyncset.done $0x0  }
0x1b: {  	[sflag:s12] =	ssyncadd.s32 $0xFFFFFFB0  }
0x1c: {  	[tilespmem:s15], [sflag:$0x1] =	stream.indirect.gather [hbm4b:s4+s14], $0x80, s3, s14, $0xb8;
	[tilespmem:$0x16900] =	vst v63  }
0x1d: {  	_ =	swait.ge [sflag:s16], $0x2800  }
0x1e: {  	[sflag:s16] =	ssyncset.done $0x0  }
0x1f: {  	[sflag:s16] =	ssyncadd.s32 $0xFFFFD800  }
0x20: {  	[spmem:s2] =	stream.indirect.scatter.add.f32 [tilespmem:s15], [sflag:$0x2], $0x80, s13, s14, $0xb8;
	[tilespmem:$0x16900] =	vst v63  }
0x21: {  	_ =	swait.ge [sflag:s12], $0x2800  }
0x22: {  	s19 =	simm.s32 $0x14;
	s18 =	simm.s32 $0xA;
	[sflag:s12] =	ssyncset.done $0x0  }
.LBB2_2:
0x23: {  	s20 =	sadd.s32 s18, s10  }
0x24: {  	[sflag:s12] =	ssyncadd.s32 $0xFFFFD800;
	s21 =	smov.u32 s19;
	s22 =	sadd.s32 $0xA, s19  }
0x25: {  	[tilespmem:s3], [sflag:$0x2] =	stream.linear.gather [hbm4b:s20+s3], $0x50, $0x38;
	[tilespmem:$0x16900] =	vst v63  }
0x26: {  	p0 =	sne.s32 s19, $0x4D8;
	_ =	swait.ge [sflag:s12], $0x50  }
0x27: {  	[sflag:s12] =	ssyncset.done $0x0  }
0x28: {  	s19 =	sadd.s32 s18, s9;
	s18 =	smov.u32 s21;
	[sflag:s12] =	ssyncadd.s32 $0xFFFFFFB0  }
0x29: {  	[tilespmem:s13], [sflag:$0x2] =	stream.linear.gather [hbm4b:s19+s3], $0x50, $0x38;
	[tilespmem:$0x16900] =	vst v63  }
0x2a: {  	_ =	swait.ge [sflag:s12], $0x50  }
0x2b: {  	[sflag:s12] =	ssyncset.done $0x0  }
0x2c: {  	[sflag:s12] =	ssyncadd.s32 $0xFFFFFFB0  }
0x2d: {  	[tilespmem:s15], [sflag:$0x1] =	stream.indirect.gather [hbm4b:s4+s14], $0x80, s3, s14, $0xb8;
	[tilespmem:$0x16900] =	vst v63  }
0x2e: {  	_ =	swait.ge [sflag:s16], $0x2800  }
.Ltmp0:
0x2f: {  	[sflag:s16] =	ssyncset.done $0x0;
	(pc) =	sbr.rel @p0 .LBB2_2-.Ltmp0, $4  }
0x30: {  	[sflag:s16] =	ssyncadd.s32 $0xFFFFD800  }
0x31: {  	[spmem:s2] =	stream.indirect.scatter.add.f32 [tilespmem:s15], [sflag:$0x2], $0x80, s13, s14, $0xb8;
	[tilespmem:$0x16900] =	vst v63  }
0x32: {  	_ =	swait.ge [sflag:s12], $0x2800  }
0x33: {  	s19 =	smov.u32 s22;
	[sflag:s12] =	ssyncset.done $0x0  }
0x34: {  	s19 =	sadd.s32 s18, s10;
	[sflag:s12] =	ssyncadd.s32 $0xFFFFD800  }
0x35: {  	[tilespmem:s3], [sflag:$0x2] =	stream.linear.gather [hbm4b:s19+s3], $0x50, $0x38;
	[tilespmem:$0x16900] =	vst v63  }
0x36: {  	_ =	swait.ge [sflag:s12], $0x50  }
0x37: {  	[sflag:s12] =	ssyncset.done $0x0  }
0x38: {  	s31 =	sadd.s32 s18, s9;
	[sflag:s12] =	ssyncadd.s32 $0xFFFFFFB0  }
0x39: {  	[tilespmem:s13], [sflag:$0x2] =	stream.linear.gather [hbm4b:s31+s3], $0x50, $0x38;
	[tilespmem:$0x16900] =	vst v63  }
0x3a: {  	_ =	swait.ge [sflag:s12], $0x50  }
0x3b: {  	[sflag:s12] =	ssyncset.done $0x0  }
0x3c: {  	[sflag:s12] =	ssyncadd.s32 $0xFFFFFFB0  }
0x3d: {  	[tilespmem:s15], [sflag:$0x1] =	stream.indirect.gather [hbm4b:s4+s14], $0x80, s3, s14, $0xb8;
	[tilespmem:$0x16900] =	vst v63  }
0x3e: {  	_ =	swait.ge [sflag:s16], $0x2800  }
0x3f: {  	[sflag:s16] =	ssyncset.done $0x0  }
0x40: {  	[sflag:s16] =	ssyncadd.s32 $0xFFFFD800  }
0x41: {  	[spmem:s2] =	stream.indirect.scatter.add.f32 [tilespmem:s15], [sflag:$0x2], $0x80, s13, s14, $0xb8;
	[tilespmem:$0x16900] =	vst v63  }
0x42: {  	_ =	swait.ge [sflag:s12], $0x2800  }
0x43: {  	s17 =	sadd.s32 $0x1, s17;
	[sflag:s12] =	ssyncset.done $0x0  }
0x44: {  	p0 =	sne.s32 s17, s8;
	[sflag:s12] =	ssyncadd.s32 $0xFFFFD800  }
.Ltmp1:
0x45: {  	[bflag:$0x0] =	sbarrier.arrive $0xFFFF;
	(pc) =	sbr.rel @p0 .LBB2_1-.Ltmp1, $4  }
0x46: {  	[hbm:s7], [sflag:s6] =	dma.local [spmem:s11], $0x2800  }
0x47: {  	_ =	swait.ge [sflag:s12], $0x2800  }
0x48: {  	[sflag:s12] =	ssyncset.done $0x0  }
0x49: {  	[sflag:s12] =	ssyncadd.s32 $0xFFFFD800  }
0x4a: {  	_ =	sfence.sel $0x180000  }
0x4b: {  	[bflag:$0x0] =	sbarrier.arrive $0xFFFF  }
0x4c: {  	p0 =	sne.s32 s1, $0x0;
	_ =	strace $0x9000004D  }
0x4d: {  	s0 =	sadd.s32 @!p0 $0x100000, s0;
	[bflag:$0x2] =	sbarrier.arrive $0xFFFF  }
0x4e: {  	[sflag:s0] =	ssyncadd.tile.s32 @!p0 $0x1;
	_ =	shalt  }
.Lfunc_end2:
_tile_overlayer_lowered:
.L_overlay_start_2:
0x4f: {  	(tag) =	ssettag $0x2  }
0x50: {  	s0 =	rddreg [dreg:$0x0];
	s2 =	stileid.u32  }
0x51: {  	s1 =	rddreg [dreg:$0x1];
	p0 =	sne.s32 s2, $0x0  }
0x52: {  	s3 =	rddreg [dreg:$0x2];
	[bflag:$0x3] =	sbarrier.arrive $0xFFFF;
	s2 =	simm.s32 @!p0 $0x1C02  }
0x53: {  	[timem:s3], [sflag:s2] =	dma.local @!p0 [hbm:s0], s1  }
0x54: {  	s0 =	simm.s32 @!p0 $0x2  }
0x55: {  	_ =	swait.ge @!p0 [sflag:s0], s1  }
0x56: {  	s1 =	ssub.s32 @!p0 $0x0, s1;
	[sflag:s0] =	ssyncset.done @!p0 $0x0  }
0x57: {  	[sflag:s0] =	ssyncadd.s32 @!p0 s1  }
0x58: {  	[bflag:$0x3] =	sbarrier.arrive $0xFFFF  }
0x59: {  	_ =	shalt  }

// kernel: kernel.19.cloned.1.call-start
scs
__scs_entry_jumppad:
0x0: {  	(pc) =	sbr.rel $0x88, $3  }
0x1: {  	(tag) =	ssettag $0x0;
	lr =	simm.s32 $0x1  }
0x2: {  	[smem:$0x3F8F] =	sst lr;
	_ =	strace $0xD0000000  }
0x3: {  	_ = 	snop  }
0x4: {  	_ = 	snop  }
0x5: {  	_ = 	snop  }
0x6: {  	_ = 	snop  }
0x7: {  	_ = 	snop  }
__scs_overlays_trampoline_lowered:
0x8: {  	[smem:$0x3F9E] =	sst s0  }
0x9: {  	[smem:$0x3F9F] =	sst s1  }
0xa: {  	[smem:$0x3FA0] =	sst s2  }
0xb: {  	[smem:$0x3FA1] =	sst s3  }
0xc: {  	[smem:$0x3FA2] =	sst s4  }
0xd: {  	[smem:$0x3FA3] =	sst s5  }
0xe: {  	[smem:$0x3FA4] =	sst s6  }
0xf: {  	[smem:$0x3FA5] =	sst s7  }
0x10: {  	[smem:$0x3FA6] =	sst s8  }
0x11: {  	[smem:$0x3FA7] =	sst s9;
	s0 =	simm.s32 @!p0 $0x0  }
0x12: {  	s1 =	sld [smem:$0x3F8D];
	s0 =	simm.s32 @p0 $0x1  }
0x13: {  	[smem:$0x3FA8] =	sst s0;
	s0 =	simm.s32 @!p1 $0x0  }
0x14: {  	s2 =	sld [smem:$0x3F8C];
	s0 =	simm.s32 @p1 $0x1  }
0x15: {  	[smem:$0x3FA9] =	sst s0;
	s0 =	simm.s32 @!p2 $0x0  }
0x16: {  	s3 =	sld [smem:$0x3FDB];
	s0 =	simm.s32 @p2 $0x1  }
0x17: {  	s4 =	simm.s32 $0x1BF5;
	[smem:$0x3FAB] =	sst s0  }
0x18: {  	s0 =	sld [smem:$0x3F8E];
	_ =	swait.ge [sflag:s4], $0x0  }
0x19: {  	s7 =	sld [smem:$0x3F8F]  }
0x1a: {  	s8 =	sadd.s32 $0xFFFFE003, lr  }
0x1b: {  	s9 =	sadd.s32 $0xFFFFFEF7, lr;
	s5 =	simm.s32 $0xFFFFFFFF;
	p2 =	slt.u32 s8, $0xFFFFF086  }
0x1c: {  	p1 =	slt.u32 s9, $0xF7A;
	s5 =	simm.s32 @!p2 $0x0  }
0x1d: {  	s5 =	simm.s32 @p1 $0x1;
	p0 =	seq.s32 s7, s2  }
0x1e: {  	s7 =	smul.u32 @!p0 $0xF7A, s2;
	p2 =	seq.s32 @!p0 s5, $0x0  }
0x1f: {  	s9 =	smul.u32 $0xF7A, s1;
	s8 =	simm.s32 @!p0 $0x1BF5;
	p2 =	por !p2, p0  }
0x20: {  	[sflag:s8] =	ssyncset.s32 @!p0 $0xFFFFF086;
	s6 =	sadd.s32 @!p0 s3, s7;
	s7 =	simm.s32 @!p0 $0x108  }
0x21: {  	s3 =	sadd.s32 s3, s9;
	s6 =	sadd.s32 @!p0 $0x88, s6;
	s7 =	simm.s32 @p2 $0x1082  }
0x22: {  	[simem:s7], [sflag:s8] =	dma.local @!p0 [hbm:s6], $0xF7A  }
0x23: {  	s9 =	sor.u32 $0xD0000000, s2;
	s6 =	simm.s32 $0x108;
	_ =	swait.ge @!p0 [sflag:s8], $0x0  }
0x24: {  	s3 =	sadd.s32 $0x88, s3;
	s6 =	simm.s32 @!p1 $0x1082;
	[sflag:s4] =	ssyncset.s32 $0xFFFFF086  }
0x25: {  	[simem:s6], [sflag:s4] =	dma.local [hbm:s3], $0xF7A  }
0x26: {  	[smem:$0x3F8F] =	sst s1;
	(tag) =	ssettag s2;
	_ =	strace s9  }
0x27: {  	s1 =	sld [smem:$0x3F9F]  }
0x28: {  	s2 =	sld [smem:$0x3FA0]  }
0x29: {  	s4 =	sld [smem:$0x3FA2]  }
0x2a: {  	p0 =	seq.s32 s5, $0x0;
	s5 =	sld [smem:$0x3FA3]  }
0x2b: {  	s6 =	sld [smem:$0x3FA4]  }
0x2c: {  	s7 =	sld [smem:$0x3FA5]  }
0x2d: {  	s3 =	simm.s32 $0x108;
	s8 =	sld [smem:$0x3FA6]  }
0x2e: {  	s3 =	simm.s32 @!p0 $0x1082;
	s9 =	sld [smem:$0x3FA7]  }
0x2f: {  	lr =	sadd.s32 s0, s3;
	s0 =	sld [smem:$0x3F9E]  }
0x30: {  	s3 =	sld [smem:$0x3FA1]  }
0x31: {  	[smem:$0x3FAA] =	sst s10  }
0x32: {  	s10 =	sld [smem:$0x3FA8];
	_ =	sdelay $0x3  }
0x33: {  	p0 =	seq.s32 s10, $0x1;
	s10 =	sld [smem:$0x3FAA];
	_ =	sdelay $0x3  }
0x34: {  	[smem:$0x3FAA] =	sst s10  }
0x35: {  	s10 =	sld [smem:$0x3FA9];
	_ =	sdelay $0x3  }
0x36: {  	p1 =	seq.s32 s10, $0x1;
	s10 =	sld [smem:$0x3FAA];
	_ =	sdelay $0x3  }
0x37: {  	[smem:$0x3FAA] =	sst s10  }
0x38: {  	s10 =	sld [smem:$0x3FAB]  }
0x39: {  	_ = 	snop;
	(pc) =	sbr.ind lr, $3  }
0x3a: {  	_ = 	snop  }
0x3b: {  	_ = 	snop  }
0x3c: {  	p2 =	seq.s32 s10, $0x1;
	s10 =	sld [smem:$0x3FAA]  }
0x3d: {  	_ =	shalt  }
0x3e: {  	_ =	shalt  }
0x3f: {  	_ =	shalt  }
0x40: {  	_ =	shalt  }
0x41: {  	_ =	shalt  }
0x42: {  	_ =	shalt  }
0x43: {  	_ =	shalt  }
0x44: {  	_ =	shalt  }
0x45: {  	_ =	shalt  }
0x46: {  	_ =	shalt  }
0x47: {  	_ =	shalt  }
0x48: {  	_ =	shalt  }
0x49: {  	_ =	shalt  }
0x4a: {  	_ =	shalt  }
0x4b: {  	_ =	shalt  }
0x4c: {  	_ =	shalt  }
0x4d: {  	_ =	shalt  }
0x4e: {  	_ =	shalt  }
0x4f: {  	_ =	shalt  }
0x50: {  	_ =	shalt  }
0x51: {  	_ =	shalt  }
0x52: {  	_ =	shalt  }
0x53: {  	_ =	shalt  }
0x54: {  	_ =	shalt  }
0x55: {  	_ =	shalt  }
0x56: {  	_ =	shalt  }
0x57: {  	_ =	shalt  }
0x58: {  	_ =	shalt  }
0x59: {  	_ =	shalt  }
0x5a: {  	_ =	shalt  }
0x5b: {  	_ =	shalt  }
0x5c: {  	_ =	shalt  }
0x5d: {  	_ =	shalt  }
0x5e: {  	_ =	shalt  }
0x5f: {  	_ =	shalt  }
0x60: {  	_ =	shalt  }
0x61: {  	_ =	shalt  }
0x62: {  	_ =	shalt  }
0x63: {  	_ =	shalt  }
0x64: {  	_ =	shalt  }
0x65: {  	_ =	shalt  }
0x66: {  	_ =	shalt  }
0x67: {  	_ =	shalt  }
0x68: {  	_ =	shalt  }
0x69: {  	_ =	shalt  }
0x6a: {  	_ =	shalt  }
0x6b: {  	_ =	shalt  }
0x6c: {  	_ =	shalt  }
0x6d: {  	_ =	shalt  }
0x6e: {  	_ =	shalt  }
0x6f: {  	_ =	shalt  }
0x70: {  	_ =	shalt  }
0x71: {  	_ =	shalt  }
0x72: {  	_ =	shalt  }
0x73: {  	_ =	shalt  }
0x74: {  	_ =	shalt  }
0x75: {  	_ =	shalt  }
0x76: {  	_ =	shalt  }
0x77: {  	_ =	shalt  }
0x78: {  	_ =	shalt  }
0x79: {  	_ =	shalt  }
0x7a: {  	_ =	shalt  }
0x7b: {  	_ =	shalt  }
0x7c: {  	_ =	shalt  }
0x7d: {  	_ =	shalt  }
0x7e: {  	_ =	shalt  }
0x7f: {  	_ =	shalt  }
0x80: {  	_ =	shalt  }
0x81: {  	_ =	shalt  }
0x82: {  	_ =	shalt  }
0x83: {  	_ =	shalt  }
0x84: {  	_ =	shalt  }
0x85: {  	_ =	shalt  }
0x86: {  	_ =	shalt  }
0x87: {  	_ =	shalt  }
.Lfunc_end0:
.L_simem_size_0:
called_computation.3_lowered:
.L_overlay_start_0:
0x88: {  	s2 =	sld [smem:$0x3FD9]  }
0x89: {  	s3 =	sld [smem:$0x3FFE];
	_ =	sdelay $0x1  }
0x8a: {  	s1 =	srdreg.scid  }
0x8b: {  	s0 =	sand.u32 $0x1, s1  }
0x8c: {  	s16 =	sshll.u32 s0, $0xA;
	s2 =	sadd.s32 s3, s2  }
0x8d: {  	s2 =	sadd.s32 s2, s16  }
0x8e: {  	[smem:$0x3FB6] =	sst s2  }
0x8f: {  	_ = 	snop  }
0x90: {  	(tm) =	ssettm $0x1  }
0x91: {  	s17 =	sld [smem:$0x3FFB];
	_ =	sdelay $0x3  }
0x92: {  	_ =	strace s17  }
0x93: {  	s2 =	sld [smem:$0x3FFC];
	_ =	sdelay $0x3  }
0x94: {  	_ =	strace s2  }
0x95: {  	s2 =	sld [smem:$0x3FFD];
	_ =	sdelay $0x3  }
0x96: {  	_ =	strace s2  }
0x97: {  	_ =	strace $0x8FFFFFFF  }
0x98: {  	s18 =	sld [smem:$0x3FDB];
	_ =	sdelay $0x1  }
0x99: {  	s19 =	simm.s32 $_scs_section_size  }
0x9a: {  	s4 =	simm.s32 $_size__tile_overlayer_lowered;
	s5 =	simm.s32 $_tile_overlayer_lowered  }
0x9b: {  	s22 =	simm.s32 $0x1BFF;
	s21 =	sshll.u32 s5, $0x1;
	s2 =	sadd.s32 s19, s18  }
0x9c: {  	s6 =	simm.s32 $0x0;
	s20 =	sshll.u32 s4, $0x1;
	s4 =	sadd.s32 s21, s2  }
0x9d: {  	[timem:s6], [sflag:s22] =	dma.local [hbm:s4], s20  }
0x9e: {  	_ =	swait.ge [sflag:s22], s20  }
0x9f: {  	s3 =	ssub.s32 $0x0, s20;
	[sflag:s22] =	ssyncset.done $0x0  }
0xa0: {  	[sflag:s22] =	ssyncadd.s32 s3;
	_ =	sdelay $0x1  }
0xa1: {  	s23 =	simm.s32 $0x1B8B  }
0xa2: {  	_ =	swait.ge [sflag:s23], $0x1  }
0xa3: {  	[sflag:s23] =	ssyncset.done $0x0  }
0xa4: {  	s25 =	simm.s32 $0x1B8E;
	s24 =	sld [smem:$0x3FFE];
	[sflag:s23] =	ssyncadd.s32 $0xFFFFFFFF  }
0xa5: {  	s26 =	simm.s32 $execute0_lowered;
	[smem:$0x3FD2] =	sst s25  }
0xa6: {  	s4 =	sshll.u32 s26, $0x1;
	_ =	strace $0x8000004F;
	[dreg:$0x1] =	wrdreg $0xFFFFFFFF  }
0xa7: {  	s28 =	simm.s32 $_size_execute0_lowered;
	s2 =	sadd.s32 s2, s4;
	[dreg:$0x0] =	wrdreg $0x0  }
0xa8: {  	s4 =	sshll.u32 s28, $0x1;
	[dreg:$0x2] =	wrdreg s2  }
0xa9: {  	[dreg:$0x3] =	wrdreg s4  }
0xaa: {  	[dreg:$0x4] =	wrdreg $0xC0  }
0xab: {  	_ =	task [dreg:s6], $0x5FFFF  }
0xac: {  	[dreg:$0x1] =	wrdreg $0xFFFFFFFF  }
0xad: {  	[dreg:$0x0] =	wrdreg $0x60  }
0xae: {  	[dreg:$0x2] =	wrdreg s24  }
0xaf: {  	[dreg:$0x3] =	wrdreg $0x29000  }
0xb0: {  	[dreg:$0x4] =	wrdreg $0x9  }
0xb1: {  	_ =	task.clear_ibuf [dreg:s6], $0x5FFFF;
	_ =	strace $0x9000004F  }
0xb2: {  	s29 =	simm.s32 $0x9;
	_ =	strace $0x80000051  }
0xb3: {  	_ =	swait.ge [sflag:s29], $0x1  }
0xb4: {  	[sflag:s29] =	ssyncadd.s32 $0xFFFFFFFF  }
0xb5: {  	_ =	strace $0x90000051  }
0xb6: {  	_ =	sfence  }
0xb7: {  	s30 =	sld [smem:$0x0];
	_ =	sdelay $0x2  }
0xb8: {  	s31 =	sshll.u32 s1, $0xD;
	s1 =	sshrl.u32 s1, $0x2  }
0xb9: {  	s3 =	sand.u32 $0x4000, s31;
	s1 =	sadd.s32 s1, s30  }
0xba: {  	s0 =	sor.u32 s3, s0;
	s1 =	sshll.u32 s1, $0x11  }
0xbb: {  	s0 =	sor.u32 s1, s0  }
0xbc: {  	s0 =	sadd.s32 $0x8F2B, s0  }
0xbd: {  	[sflag:s0] =	ssyncadd.remote.s32 $0x1  }
0xbe: {  	_ =	sfence.sel $0xFFFF  }
0xbf: {  	[dreg:$0x0] =	wrdreg $0xFFFFFFFF;
	(pc) =	sbr.abs _section_cstart, $3  }
0xc0: {  	[dreg:$0x1] =	wrdreg $0xFFFFFFFF  }
0xc1: {  	_ =	task.clear_ibuf [dreg:s6], $0x2FFFF;
	_ =	strace $0x9FFFFFFF  }
0xc2: {  	(tm) =	ssettm $0x7FFFFFFF  }
0xc3: {  	_ =	shalt  }
tec
execute0_lowered:
.L_overlay_start_1:
0x0: {  	(tag) =	ssettag $0x1  }
0x1: {  	s5 =	rddreg [dreg:$0x0];
	s0 =	srdreg.scid  }
0x2: {  	s2 =	rddreg [dreg:$0x1];
	s1 =	stileid.u32  }
0x3: {  	s3 =	simm.s32 $0x0;
	s13 =	simm.s32 $0x80;
	s14 =	simm.s32 $0x50  }
0x4: {  	s15 =	simm.s32 $0x100;
	s16 =	simm.s32 $0x1;
	s7 =	smul.u32 $0x2710, s1  }
0x5: {  	s6 =	sand.u32 $0x1, s0;
	s0 =	rddreg [dreg:$0x2];
	s8 =	smul.u32 $0x2800, s1  }
0x6: {  	s17 =	simm.s32 $0x0;
	[smem:$0x7FF] =	sst s3;
	s28 =	smul.u32 $0x50000, s1  }
0x7: {  	s31 =	sshll.u32 s1, $0x6;
	s4 =	smul.u32 $0x27100, s6;
	_ =	strace $0x80000050  }
0x8: {  	s9 =	smul.u32 $0x28000, s6;
	s6 =	ssub.s32 $0x2, s6;
	s11 =	sadd.s32 s8, s5  }
0x9: {  	s29 =	sshrl.u32 s6, $0x1;
	s30 =	sshrl.u32 s28, $0x2;
	s7 =	sadd.s32 s7, s4  }
0xa: {  	s4 =	sadd.s32 $0x17200, s5;
	s8 =	sadd.s32 s8, s9;
	s9 =	ssub.s32 s6, s29  }
0xb: {  	s12 =	sadd.s32 s30, s2;
	s6 =	sor.u32 $0x1C02, s31;
	s7 =	sshrl.u32 s7, $0x3  }
0xc: {  	s8 =	sadd.s32 s8, s5;
	s10 =	sadd.s32 s7, s5;
	s5 =	sadd.s32 $0x3E400, s11  }
0xd: {  	s7 =	sadd.s32 $0xB6A00, s8;
	s8 =	smax.u32 s9, $0x1;
	s11 =	sshrl.u32 s12, $0x3  }
0xe: {  	s12 =	simm.s32 $0x2;
	s9 =	sadd.s32 $0xD400, s10;
	s10 =	sadd.s32 $0x3600, s10  }
.LBB2_1:
0xf: {  	[spmem:s11], [sflag:s6] =	dma.local [hbm:s5], $0x2800  }
0x10: {  	_ =	swait.ge [sflag:s12], $0x2800  }
0x11: {  	[sflag:s12] =	ssyncset.done $0x0  }
0x12: {  	[sflag:s12] =	ssyncadd.s32 $0xFFFFD800  }
0x13: {  	s18 =	sadd.s32 $0x0, s10;
	[bflag:$0x0] =	sbarrier.arrive $0xFFFF  }
0x14: {  	[tilespmem:s3], [sflag:$0x2] =	stream.linear.gather [hbm4b:s18+s3], $0x50, $0x38;
	[tilespmem:$0x16900] =	vst v63  }
0x15: {  	_ =	swait.ge [sflag:s12], $0x50  }
0x16: {  	[sflag:s12] =	ssyncset.done $0x0  }
0x17: {  	s31 =	sadd.s32 $0x0, s9;
	[sflag:s12] =	ssyncadd.s32 $0xFFFFFFB0  }
0x18: {  	[tilespmem:s13], [sflag:$0x2] =	stream.linear.gather [hbm4b:s31+s3], $0x50, $0x38;
	[tilespmem:$0x16900] =	vst v63  }
0x19: {  	_ =	swait.ge [sflag:s12], $0x50  }
0x1a: {  	[sflag:s12] =	ssyncset.done $0x0  }
0x1b: {  	[sflag:s12] =	ssyncadd.s32 $0xFFFFFFB0  }
0x1c: {  	[tilespmem:s15], [sflag:$0x1] =	stream.indirect.gather [hbm4b:s4+s14], $0x80, s3, s14, $0xb8;
	[tilespmem:$0x16900] =	vst v63  }
0x1d: {  	_ =	swait.ge [sflag:s16], $0x2800  }
0x1e: {  	[sflag:s16] =	ssyncset.done $0x0  }
0x1f: {  	[sflag:s16] =	ssyncadd.s32 $0xFFFFD800  }
0x20: {  	[spmem:s2] =	stream.indirect.scatter.add.f32 [tilespmem:s15], [sflag:$0x2], $0x80, s13, s14, $0xb8;
	[tilespmem:$0x16900] =	vst v63  }
0x21: {  	_ =	swait.ge [sflag:s12], $0x2800  }
0x22: {  	s19 =	simm.s32 $0x14;
	s18 =	simm.s32 $0xA;
	[sflag:s12] =	ssyncset.done $0x0  }
.LBB2_2:
0x23: {  	s20 =	sadd.s32 s18, s10  }
0x24: {  	[sflag:s12] =	ssyncadd.s32 $0xFFFFD800;
	s21 =	smov.u32 s19;
	s22 =	sadd.s32 $0xA, s19  }
0x25: {  	[tilespmem:s3], [sflag:$0x2] =	stream.linear.gather [hbm4b:s20+s3], $0x50, $0x38;
	[tilespmem:$0x16900] =	vst v63  }
0x26: {  	p0 =	sne.s32 s19, $0x4D8;
	_ =	swait.ge [sflag:s12], $0x50  }
0x27: {  	[sflag:s12] =	ssyncset.done $0x0  }
0x28: {  	s19 =	sadd.s32 s18, s9;
	s18 =	smov.u32 s21;
	[sflag:s12] =	ssyncadd.s32 $0xFFFFFFB0  }
0x29: {  	[tilespmem:s13], [sflag:$0x2] =	stream.linear.gather [hbm4b:s19+s3], $0x50, $0x38;
	[tilespmem:$0x16900] =	vst v63  }
0x2a: {  	_ =	swait.ge [sflag:s12], $0x50  }
0x2b: {  	[sflag:s12] =	ssyncset.done $0x0  }
0x2c: {  	[sflag:s12] =	ssyncadd.s32 $0xFFFFFFB0  }
0x2d: {  	[tilespmem:s15], [sflag:$0x1] =	stream.indirect.gather [hbm4b:s4+s14], $0x80, s3, s14, $0xb8;
	[tilespmem:$0x16900] =	vst v63  }
0x2e: {  	_ =	swait.ge [sflag:s16], $0x2800  }
.Ltmp0:
0x2f: {  	[sflag:s16] =	ssyncset.done $0x0;
	(pc) =	sbr.rel @p0 .LBB2_2-.Ltmp0, $4  }
0x30: {  	[sflag:s16] =	ssyncadd.s32 $0xFFFFD800  }
0x31: {  	[spmem:s2] =	stream.indirect.scatter.add.f32 [tilespmem:s15], [sflag:$0x2], $0x80, s13, s14, $0xb8;
	[tilespmem:$0x16900] =	vst v63  }
0x32: {  	_ =	swait.ge [sflag:s12], $0x2800  }
0x33: {  	s19 =	smov.u32 s22;
	[sflag:s12] =	ssyncset.done $0x0  }
0x34: {  	s19 =	sadd.s32 s18, s10;
	[sflag:s12] =	ssyncadd.s32 $0xFFFFD800  }
0x35: {  	[tilespmem:s3], [sflag:$0x2] =	stream.linear.gather [hbm4b:s19+s3], $0x50, $0x38;
	[tilespmem:$0x16900] =	vst v63  }
0x36: {  	_ =	swait.ge [sflag:s12], $0x50  }
0x37: {  	[sflag:s12] =	ssyncset.done $0x0  }
0x38: {  	s31 =	sadd.s32 s18, s9;
	[sflag:s12] =	ssyncadd.s32 $0xFFFFFFB0  }
0x39: {  	[tilespmem:s13], [sflag:$0x2] =	stream.linear.gather [hbm4b:s31+s3], $0x50, $0x38;
	[tilespmem:$0x16900] =	vst v63  }
0x3a: {  	_ =	swait.ge [sflag:s12], $0x50  }
0x3b: {  	[sflag:s12] =	ssyncset.done $0x0  }
0x3c: {  	[sflag:s12] =	ssyncadd.s32 $0xFFFFFFB0  }
0x3d: {  	[tilespmem:s15], [sflag:$0x1] =	stream.indirect.gather [hbm4b:s4+s14], $0x80, s3, s14, $0xb8;
	[tilespmem:$0x16900] =	vst v63  }
0x3e: {  	_ =	swait.ge [sflag:s16], $0x2800  }
0x3f: {  	[sflag:s16] =	ssyncset.done $0x0  }
0x40: {  	[sflag:s16] =	ssyncadd.s32 $0xFFFFD800  }
0x41: {  	[spmem:s2] =	stream.indirect.scatter.add.f32 [tilespmem:s15], [sflag:$0x2], $0x80, s13, s14, $0xb8;
	[tilespmem:$0x16900] =	vst v63  }
0x42: {  	_ =	swait.ge [sflag:s12], $0x2800  }
0x43: {  	s17 =	sadd.s32 $0x1, s17;
	[sflag:s12] =	ssyncset.done $0x0  }
0x44: {  	p0 =	sne.s32 s17, s8;
	[sflag:s12] =	ssyncadd.s32 $0xFFFFD800  }
.Ltmp1:
0x45: {  	[bflag:$0x0] =	sbarrier.arrive $0xFFFF;
	(pc) =	sbr.rel @p0 .LBB2_1-.Ltmp1, $4  }
0x46: {  	[hbm:s7], [sflag:s6] =	dma.local [spmem:s11], $0x2800  }
0x47: {  	_ =	swait.ge [sflag:s12], $0x2800  }
0x48: {  	[sflag:s12] =	ssyncset.done $0x0  }
0x49: {  	[sflag:s12] =	ssyncadd.s32 $0xFFFFD800  }
0x4a: {  	_ =	sfence.sel $0x180000  }
0x4b: {  	[bflag:$0x0] =	sbarrier.arrive $0xFFFF  }
0x4c: {  	p0 =	sne.s32 s1, $0x0;
	_ =	strace $0x90000050  }
0x4d: {  	s0 =	sadd.s32 @!p0 $0x100000, s0;
	[bflag:$0x2] =	sbarrier.arrive $0xFFFF  }
0x4e: {  	[sflag:s0] =	ssyncadd.tile.s32 @!p0 $0x1;
	_ =	shalt  }
.Lfunc_end2:
_tile_overlayer_lowered:
.L_overlay_start_2:
0x4f: {  	(tag) =	ssettag $0x2  }
0x50: {  	s0 =	rddreg [dreg:$0x0];
	s2 =	stileid.u32  }
0x51: {  	s1 =	rddreg [dreg:$0x1];
	p0 =	sne.s32 s2, $0x0  }
0x52: {  	s3 =	rddreg [dreg:$0x2];
	[bflag:$0x3] =	sbarrier.arrive $0xFFFF;
	s2 =	simm.s32 @!p0 $0x1C02  }
0x53: {  	[timem:s3], [sflag:s2] =	dma.local @!p0 [hbm:s0], s1  }
0x54: {  	s0 =	simm.s32 @!p0 $0x2  }
0x55: {  	_ =	swait.ge @!p0 [sflag:s0], s1  }
0x56: {  	s1 =	ssub.s32 @!p0 $0x0, s1;
	[sflag:s0] =	ssyncset.done @!p0 $0x0  }
0x57: {  	[sflag:s0] =	ssyncadd.s32 @!p0 s1  }
0x58: {  	[bflag:$0x3] =	sbarrier.arrive $0xFFFF  }
0x59: {  	_ =	shalt  }

</sc_bundles>
